<compile_context>
chip_gen: v7x
topology: tpu7x:2x2x1
jax: 0.10.2.dev20260603
libtpu: 0.0.44.dev20260713+nightly
codegen_flags: <defaults>
</compile_context>

<pallas_src>
import functools

import jax
import jax.numpy as jnp
from jax import lax
from jax.experimental import pallas as pl
from jax.experimental.pallas import tpu as pltpu
from jax.experimental.pallas import tpu_sc as plsc

_NCLS = 256
_NBINS = _NCLS * _NCLS
_P = 32768


def _mlp_body(x_ref, seg_ref, w1_ref, b1_ref, w2_ref, b2_ref, out_ref):
    x = x_ref[0].reshape(3, _P)
    h = lax.dot_general(w1_ref[:], x, (((1,), (0,)), ((), ())),
                        preferred_element_type=jnp.float32)
    h = jnp.maximum(h + b1_ref[:], 0.0)
    logits = lax.dot_general(w2_ref[:], h, (((1,), (0,)), ((), ())),
                             preferred_element_type=jnp.float32)
    logits = logits + b2_ref[:]
    m = jnp.max(logits, axis=0, keepdims=True)
    iota = lax.broadcasted_iota(jnp.int32, logits.shape,
                                0).astype(jnp.float32)
    pred = jnp.min(jnp.where(logits == m, iota, float(_NBINS)),
                   axis=0).astype(jnp.int32)
    gt = (seg_ref[0, 0].reshape(_P) * 255.0).astype(jnp.int32)
    out_ref[:] = pred * _NCLS + gt


def _merge_indices(x, seg, w1, b1, w2, b2):
    n = x.shape[0] * x.shape[2] * x.shape[3]
    rows = _P // 512
    steps_per_img = x.shape[2] // rows
    return pl.pallas_call(
        _mlp_body,
        grid=(n // _P,),
        in_specs=[
            pl.BlockSpec((1, 3, rows, 512),
                         lambda i: (i // steps_per_img, 0,
                                    i % steps_per_img, 0)),
            pl.BlockSpec((1, 1, rows, 512),
                         lambda i: (i // steps_per_img, 0,
                                    i % steps_per_img, 0)),
            pl.BlockSpec((128, 3), lambda i: (0, 0)),
            pl.BlockSpec((128, 1), lambda i: (0, 0)),
            pl.BlockSpec((_NCLS, 128), lambda i: (0, 0)),
            pl.BlockSpec((_NCLS, 1), lambda i: (0, 0)),
        ],
        out_specs=pl.BlockSpec((_P,), lambda i: (i,)),
        out_shape=jax.ShapeDtypeStruct((n,), jnp.int32),
    )(x, seg, w1, b1, w2, b2)


_NR = _NBINS // 128


def _hist_body(merge_hbm, out_hbm, tab_v, chunk_v, idx_v, shared, sem, chunk):
    c = lax.axis_index("c")
    s = lax.axis_index("s")
    row = c * 16 + s
    zeros16 = jnp.zeros((16,), jnp.int32)
    ones16 = jnp.ones((16,), jnp.int32)
    iota16 = lax.iota(jnp.int32, 16)

    @plsc.parallel_loop(0, _NBINS // 16, unroll=8)
    def zbody(i):
        tab_v[i // 8, pl.ds((i % 8) * 16, 16)] = zeros16

    @pl.when(s == 0)
    def _():
        pltpu.sync_copy(tab_v, shared)

    def ibody(i, _):
        idx_v[i // 8, pl.ds((i % 8) * 16, 16)] = i * 16 + iota16
        return 0

    lax.fori_loop(0, _NR // 16, ibody, 0, unroll=4)

    pltpu.sync_copy(merge_hbm.at[pl.ds(row * chunk, chunk)], chunk_v)

    @plsc.parallel_loop(0, chunk // 16, unroll=8)
    def sbody(i):
        idx = chunk_v[pl.ds(i * 16, 16)]
        plsc.addupdate_scatter(tab_v, [idx >> 7, idx & 127], ones16)

    plsc.subcore_barrier()
    descs = []
    for j in range(_NR // 128):
        descs.append(pltpu.async_copy(
            tab_v.at[pl.ds(j * 128, 128), :], shared.at[idx_v.at[j]], sem,
            add=True))
    for d in descs:
        d.wait()
    plsc.subcore_barrier()

    sl = _NR // 16
    pltpu.sync_copy(shared.at[pl.ds(s * sl, sl), :],
                    out_hbm.at[c, pl.ds(s * sl, sl), :])


def _histogram_partials(merge):
    n = merge.shape[0]
    chunk = n // 32
    mesh = plsc.VectorSubcoreMesh(core_axis_name="c", subcore_axis_name="s")
    body = functools.partial(_hist_body, chunk=chunk)
    f = pl.kernel(
        body,
        out_type=jax.ShapeDtypeStruct((2, _NR, 128), jnp.int32),
        mesh=mesh,
        compiler_params=pltpu.CompilerParams(needs_layout_passes=False),
        scratch_types=[
            pltpu.VMEM((_NR, 128), jnp.int32),
            pltpu.VMEM((chunk,), jnp.int32),
            pltpu.VMEM((_NR // 128, 128), jnp.int32),
            pltpu.VMEM_SHARED((_NR, 128), jnp.int32),
            pltpu.SemaphoreType.DMA,
        ],
    )
    return f(merge).reshape(2, _NBINS)


def kernel(fake_images, segmaps, W1, b1, W2, b2):
    B, C, H, W = fake_images.shape
    merge = _merge_indices(fake_images, segmaps, W1, b1[:, None], W2,
                           b2[:, None])
    hist = _histogram_partials(merge)
    return hist.reshape(B, _NCLS, _NCLS)

# --- scband reference (transcript-rebuilt; emitter-appended) ---
"""Pipeline reference for scband-segmentation-hist-model-12360915878601 (READ-ONLY COPY).

The authoritative reference and input builder live on the scoring server;
editing this copy changes nothing except your own understanding.
"""

import jax, jax.numpy as jnp
import numpy as np

N_CLASSES = 256

def setup_inputs(seed: int = 0):
    key = jax.random.key(seed)
    k1, k2, k3, k4 = jax.random.split(key, 4)
    fake_images = jax.random.normal(k1, (2, 3, 512, 512), dtype=jnp.float32)
    segmaps = jax.random.uniform(k2, (2, 1, 512, 512), dtype=jnp.float32)
    W1 = jax.random.normal(k3, (128, 3), dtype=jnp.float32) * 0.1
    b1 = jnp.zeros((128,), dtype=jnp.float32)
    W2 = jax.random.normal(k4, (N_CLASSES, 128), dtype=jnp.float32) * 0.1
    b2 = jnp.zeros((N_CLASSES,), dtype=jnp.float32)
    return {"fake_images": fake_images, "segmaps": segmaps, "W1": W1, "b1": b1, "W2": W2, "b2": b2}

def _seg_network(x, W1, b1, W2, b2):
    # simple per-pixel MLP segmentation head (stack of 1x1 convs), returns argmax labels
    B, C, H, W = x.shape
    feat = jnp.transpose(x, (0, 2, 3, 1)).reshape(-1, C)
    h = jnp.maximum(feat @ W1.T + b1, 0.0)
    logits = h @ W2.T + b2
    logits = logits.reshape(B, H, W, N_CLASSES)
    return jnp.argmax(logits, axis=-1)  # [B, H, W] int

def _nearest_resize(gt, H, W):
    # torch F.interpolate(mode='nearest') index rule: src_idx = floor(dst_idx * src/dst)
    B, C, Hg, Wg = gt.shape
    rows = (jnp.arange(H) * Hg) // H
    cols = (jnp.arange(W) * Wg) // W
    return gt[:, :, rows[:, None], cols[None, :]]

def reference(fake_images, segmaps, W1, b1, W2, b2):
    pred = _seg_network(fake_images, W1, b1, W2, b2)
    _, H, W = pred.shape
    gt = (segmaps * 255.0).astype(jnp.int64)
    gt = _nearest_resize(gt.astype(jnp.float32), H, W).astype(jnp.int64)
    gt = jnp.squeeze(gt, axis=1)  # [B, H, W]
    ignore_idx = -1  # use_dont_care = False
    keep = gt != ignore_idx
    merge = pred * N_CLASSES + gt
    merge = jnp.where(keep, merge, 0)
    w = keep.astype(jnp.int32)

    def per_image(m, wv):
        return jnp.zeros((N_CLASSES * N_CLASSES,), dtype=jnp.int32).at[m.ravel()].add(wv.ravel())

    hist = jax.vmap(per_image)(merge, w)
    return hist.reshape(-1, N_CLASSES, N_CLASSES)

if __name__ == "__main__":
    import jax
    _d = setup_inputs()
    print(jax.jit(kernel)(*tuple(_d.values())))

</pallas_src>

<mosaic_0001>
#map = affine_map<(d0, d1) -> (0)>
#map1 = affine_map<(d0, d1) -> (0, 0, 0)>
module attributes {stable_mosaic.version = 14 : i64} {
  func.func @_hist_body(%arg0: i32, %arg1: i32, %arg2: memref<524288xi32, #tpu.memory_space<hbm>>, %arg3: memref<2x512x128xi32, #tpu.memory_space<hbm>>, %arg4: memref<512x128xi32, #tpu.memory_space<vmem>>, %arg5: memref<16384xi32, #tpu.memory_space<vmem>>, %arg6: memref<4x128xi32, #tpu.memory_space<vmem>>, %arg7: memref<512x128xi32, #tpu.memory_space<vmem_shared>>, %arg8: memref<!tpu.dma_semaphore, #tpu.memory_space<semaphore_mem>>) attributes {dimension_semantics = [#tpu.dimension_semantics<core_parallel>, #tpu.dimension_semantics<subcore_parallel>], iteration_bounds = array<i64: 2, 16>, scalar_prefetch = 0 : i64, scratch_operands = 5 : i64, tpu.core_type = #tpu.core_type<sc_vector_subcore>, window_params = [{transform_indices = #map}, {transform_indices = #map1}]} {
    %mul3A = arith.constant 16 : i32
    %mul3A_0 = arith.muli %arg0, %mul3A : i32
    %add3A = arith.addi %mul3A_0, %arg1 : i32
    %broadcast_in_dim3A = arith.constant 0 : i32
    %broadcast_in_dim3A_1 = vector.broadcast %broadcast_in_dim3A : i32 to vector<16xi32>
    %broadcast_in_dim3A_2 = arith.constant 1 : i32
    %broadcast_in_dim3A_3 = vector.broadcast %broadcast_in_dim3A_2 : i32 to vector<16xi32>
    %iota3A = tpu.iota {dimensions = array<i32: 0>} : vector<16xi32>
    %parallel_loop3A = arith.constant 0 : i32
    %parallel_loop3A_4 = arith.constant 4096 : i32
    %parallel_loop3A_5 = arith.constant 1 : i32
    scf.for %parallel_loop3A_102 = %parallel_loop3A to %parallel_loop3A_4 step %parallel_loop3A_5  : i32 {
      %parallel_loop3A_103 = arith.constant 8 : i32
      %parallel_loop3A_104 = arith.divsi %parallel_loop3A_102, %parallel_loop3A_103 : i32
      %parallel_loop3A_105 = arith.constant 0 : i32
      %parallel_loop3A_106 = arith.cmpi sgt, %parallel_loop3A_102, %parallel_loop3A_105 : i32
      %parallel_loop3A_107 = arith.extui %parallel_loop3A_106 : i1 to i32
      %parallel_loop3A_108 = arith.constant 0 : i32
      %parallel_loop3A_109 = arith.cmpi slt, %parallel_loop3A_102, %parallel_loop3A_108 : i32
      %parallel_loop3A_110 = arith.extui %parallel_loop3A_109 : i1 to i32
      %parallel_loop3A_111 = arith.subi %parallel_loop3A_107, %parallel_loop3A_110 : i32
      %parallel_loop3A_112 = arith.constant 0 : i32
      %parallel_loop3A_113 = arith.cmpi sgt, %parallel_loop3A_103, %parallel_loop3A_112 : i32
      %parallel_loop3A_114 = arith.extui %parallel_loop3A_113 : i1 to i32
      %parallel_loop3A_115 = arith.constant 0 : i32
      %parallel_loop3A_116 = arith.cmpi slt, %parallel_loop3A_103, %parallel_loop3A_115 : i32
      %parallel_loop3A_117 = arith.extui %parallel_loop3A_116 : i1 to i32
      %parallel_loop3A_118 = arith.subi %parallel_loop3A_114, %parallel_loop3A_117 : i32
      %parallel_loop3A_119 = arith.cmpi ne, %parallel_loop3A_111, %parallel_loop3A_118 : i32
      %parallel_loop3A_120 = arith.remsi %parallel_loop3A_102, %parallel_loop3A_103 : i32
      %parallel_loop3A_121 = arith.constant 0 : i32
      %parallel_loop3A_122 = arith.cmpi ne, %parallel_loop3A_120, %parallel_loop3A_121 : i32
      %parallel_loop3A_123 = arith.andi %parallel_loop3A_119, %parallel_loop3A_122 : i1
      %parallel_loop3A_124 = arith.constant 1 : i32
      %parallel_loop3A_125 = arith.subi %parallel_loop3A_104, %parallel_loop3A_124 : i32
      %parallel_loop3A_126 = arith.select %parallel_loop3A_123, %parallel_loop3A_125, %parallel_loop3A_104 : i32
      %parallel_loop3A_127 = arith.constant 8 : i32
      %parallel_loop3A_128 = arith.constant 0 : i32
      %parallel_loop3A_129 = arith.cmpi eq, %parallel_loop3A_127, %parallel_loop3A_128 : i32
      %parallel_loop3A_130 = arith.constant 1 : i32
      %parallel_loop3A_131 = arith.select %parallel_loop3A_129, %parallel_loop3A_130, %parallel_loop3A_127 : i32
      %parallel_loop3A_132 = arith.remsi %parallel_loop3A_102, %parallel_loop3A_131 : i32
      %parallel_loop3A_133 = arith.constant 0 : i32
      %parallel_loop3A_134 = arith.cmpi ne, %parallel_loop3A_132, %parallel_loop3A_133 : i32
      %parallel_loop3A_135 = arith.constant 0 : i32
      %parallel_loop3A_136 = arith.cmpi slt, %parallel_loop3A_132, %parallel_loop3A_135 : i32
      %parallel_loop3A_137 = arith.constant 0 : i32
      %parallel_loop3A_138 = arith.cmpi slt, %parallel_loop3A_131, %parallel_loop3A_137 : i32
      %parallel_loop3A_139 = arith.xori %parallel_loop3A_136, %parallel_loop3A_138 : i1
      %parallel_loop3A_140 = arith.andi %parallel_loop3A_139, %parallel_loop3A_134 : i1
      %parallel_loop3A_141 = arith.addi %parallel_loop3A_132, %parallel_loop3A_131 : i32
      %parallel_loop3A_142 = arith.select %parallel_loop3A_140, %parallel_loop3A_141, %parallel_loop3A_132 : i32
      %parallel_loop3A_143 = arith.constant 16 : i32
      %parallel_loop3A_144 = arith.muli %parallel_loop3A_142, %parallel_loop3A_143 : i32
      %parallel_loop3A_145 = arith.index_cast %parallel_loop3A_126 : i32 to index
      %parallel_loop3A_146 = arith.index_cast %parallel_loop3A_144 : i32 to index
      %parallel_loop3A_147 = tpu.vector_load %arg4[%parallel_loop3A_145, %parallel_loop3A_146] {strides = array<i32>} : memref<512x128xi32, #tpu.memory_space<vmem>>, vector<16xi32>,
      tpu.vector_store %arg4[%parallel_loop3A_145, %parallel_loop3A_146], %broadcast_in_dim3A_1 {strides = array<i32>} : memref<512x128xi32, #tpu.memory_space<vmem>>, vector<16xi32>,
    } {sc.loop_unroll_factor = 8 : i64, sc.parallel_access}
    %eq3A = arith.constant 0 : i32
    %eq3A_6 = arith.cmpi eq, %arg1, %eq3A : i32
    %convert_element_type3A = arith.extui %eq3A_6 : i1 to i32
    %cond3A = arith.constant 0 : i32
    %cond3A_7 = arith.cmpi ne, %convert_element_type3A, %cond3A : i32
    scf.if %cond3A_7 {
      "tpu.region"() ({
        %run_scoped3A = tpu.sem_alloc : memref<!tpu.dma_semaphore, #tpu.memory_space<semaphore_mem>>
        tpu.enqueue_dma source(%arg4 : memref<512x128xi32, #tpu.memory_space<vmem>>) target(%arg7 : memref<512x128xi32, #tpu.memory_space<vmem_shared>>) target_semaphore(%run_scoped3A : memref<!tpu.dma_semaphore, #tpu.memory_space<semaphore_mem>>)
        tpu.wait_dma2 semaphore(%run_scoped3A : memref<!tpu.dma_semaphore, #tpu.memory_space<semaphore_mem>>) src(%arg4 : memref<512x128xi32, #tpu.memory_space<vmem>>) dst(%arg7 : memref<512x128xi32, #tpu.memory_space<vmem_shared>>)
        tpu.yield
      }) : () -> ()
    } else {
    }
    %scan3A = arith.constant 0 : i32
    %scan3A_8 = arith.constant 0 : i32
    %scan3A_9 = arith.constant 32 : i32
    %scan3A_10 = arith.addi %scan3A_8, %scan3A_9 : i32
    %scan3A_11 = arith.constant 4 : i32
    %scan3A_12 = scf.for %scan3A_102 = %scan3A_8 to %scan3A_10 step %scan3A_11 iter_args(%scan3A_103 = %scan3A) -> (i32)  : i32 {
      %mul3A_104 = arith.constant 16 : i32
      %mul3A_105 = arith.muli %scan3A_102, %mul3A_104 : i32
      %add3A_106 = vector.broadcast %mul3A_105 : i32 to vector<16xi32>
      %add3A_107 = arith.addi %add3A_106, %iota3A : vector<16xi32>
      %jit3A = arith.constant 8 : i32
      %div3A = arith.divsi %scan3A_102, %jit3A : i32
      %sign3A = arith.constant 0 : i32
      %sign3A_108 = arith.cmpi sgt, %scan3A_102, %sign3A : i32
      %sign3A_109 = arith.extui %sign3A_108 : i1 to i32
      %sign3A_110 = arith.constant 0 : i32
      %sign3A_111 = arith.cmpi slt, %scan3A_102, %sign3A_110 : i32
      %sign3A_112 = arith.extui %sign3A_111 : i1 to i32
      %sign3A_113 = arith.subi %sign3A_109, %sign3A_112 : i32
      %sign3A_114 = arith.constant 0 : i32
      %sign3A_115 = arith.cmpi sgt, %jit3A, %sign3A_114 : i32
      %sign3A_116 = arith.extui %sign3A_115 : i1 to i32
      %sign3A_117 = arith.constant 0 : i32
      %sign3A_118 = arith.cmpi slt, %jit3A, %sign3A_117 : i32
      %sign3A_119 = arith.extui %sign3A_118 : i1 to i32
      %sign3A_120 = arith.subi %sign3A_116, %sign3A_119 : i32
      %ne3A = arith.cmpi ne, %sign3A_113, %sign3A_120 : i32
      %rem3A = arith.remsi %scan3A_102, %jit3A : i32
      %ne3A_121 = arith.constant 0 : i32
      %ne3A_122 = arith.cmpi ne, %rem3A, %ne3A_121 : i32
      %and3A = arith.andi %ne3A, %ne3A_122 : i1
      %sub3A = arith.constant 1 : i32
      %sub3A_123 = arith.subi %div3A, %sub3A : i32
      %select_n3A = arith.select %and3A, %sub3A_123, %div3A : i32
      %jit3A_124 = arith.constant 8 : i32
      %eq3A_125 = arith.constant 0 : i32
      %eq3A_126 = arith.cmpi eq, %jit3A_124, %eq3A_125 : i32
      %jit3A_127 = arith.constant 1 : i32
      %select_n3A_128 = arith.select %eq3A_126, %jit3A_127, %jit3A_124 : i32
      %rem3A_129 = arith.remsi %scan3A_102, %select_n3A_128 : i32
      %ne3A_130 = arith.constant 0 : i32
      %ne3A_131 = arith.cmpi ne, %rem3A_129, %ne3A_130 : i32
      %lt3A = arith.constant 0 : i32
      %lt3A_132 = arith.cmpi slt, %rem3A_129, %lt3A : i32
      %lt3A_133 = arith.constant 0 : i32
      %lt3A_134 = arith.cmpi slt, %select_n3A_128, %lt3A_133 : i32
      %ne3A_135 = arith.xori %lt3A_132, %lt3A_134 : i1
      %and3A_136 = arith.andi %ne3A_135, %ne3A_131 : i1
      %add3A_137 = arith.addi %rem3A_129, %select_n3A_128 : i32
      %select_n3A_138 = arith.select %and3A_136, %add3A_137, %rem3A_129 : i32
      %mul3A_139 = arith.constant 16 : i32
      %mul3A_140 = arith.muli %select_n3A_138, %mul3A_139 : i32
      %swap3A = arith.index_cast %select_n3A : i32 to index
      %swap3A_141 = arith.index_cast %mul3A_140 : i32 to index
      %swap3A_142 = tpu.vector_load %arg6[%swap3A, %swap3A_141] {strides = array<i32>} : memref<4x128xi32, #tpu.memory_space<vmem>>, vector<16xi32>,
      tpu.vector_store %arg6[%swap3A, %swap3A_141], %add3A_107 {strides = array<i32>} : memref<4x128xi32, #tpu.memory_space<vmem>>, vector<16xi32>,
      %scan3A_143 = arith.constant 0 : i32
      %scan3A_144 = arith.constant 1 : i32
      %scan3A_145 = arith.addi %scan3A_102, %scan3A_144 : i32
      %mul3A_146 = arith.constant 16 : i32
      %mul3A_147 = arith.muli %scan3A_145, %mul3A_146 : i32
      %add3A_148 = vector.broadcast %mul3A_147 : i32 to vector<16xi32>
      %add3A_149 = arith.addi %add3A_148, %iota3A : vector<16xi32>
      %jit3A_150 = arith.constant 8 : i32
      %div3A_151 = arith.divsi %scan3A_145, %jit3A_150 : i32
      %sign3A_152 = arith.constant 0 : i32
      %sign3A_153 = arith.cmpi sgt, %scan3A_145, %sign3A_152 : i32
      %sign3A_154 = arith.extui %sign3A_153 : i1 to i32
      %sign3A_155 = arith.constant 0 : i32
      %sign3A_156 = arith.cmpi slt, %scan3A_145, %sign3A_155 : i32
      %sign3A_157 = arith.extui %sign3A_156 : i1 to i32
      %sign3A_158 = arith.subi %sign3A_154, %sign3A_157 : i32
      %sign3A_159 = arith.constant 0 : i32
      %sign3A_160 = arith.cmpi sgt, %jit3A_150, %sign3A_159 : i32
      %sign3A_161 = arith.extui %sign3A_160 : i1 to i32
      %sign3A_162 = arith.constant 0 : i32
      %sign3A_163 = arith.cmpi slt, %jit3A_150, %sign3A_162 : i32
      %sign3A_164 = arith.extui %sign3A_163 : i1 to i32
      %sign3A_165 = arith.subi %sign3A_161, %sign3A_164 : i32
      %ne3A_166 = arith.cmpi ne, %sign3A_158, %sign3A_165 : i32
      %rem3A_167 = arith.remsi %scan3A_145, %jit3A_150 : i32
      %ne3A_168 = arith.constant 0 : i32
      %ne3A_169 = arith.cmpi ne, %rem3A_167, %ne3A_168 : i32
      %and3A_170 = arith.andi %ne3A_166, %ne3A_169 : i1
      %sub3A_171 = arith.constant 1 : i32
      %sub3A_172 = arith.subi %div3A_151, %sub3A_171 : i32
      %select_n3A_173 = arith.select %and3A_170, %sub3A_172, %div3A_151 : i32
      %jit3A_174 = arith.constant 8 : i32
      %eq3A_175 = arith.constant 0 : i32
      %eq3A_176 = arith.cmpi eq, %jit3A_174, %eq3A_175 : i32
      %jit3A_177 = arith.constant 1 : i32
      %select_n3A_178 = arith.select %eq3A_176, %jit3A_177, %jit3A_174 : i32
      %rem3A_179 = arith.remsi %scan3A_145, %select_n3A_178 : i32
      %ne3A_180 = arith.constant 0 : i32
      %ne3A_181 = arith.cmpi ne, %rem3A_179, %ne3A_180 : i32
      %lt3A_182 = arith.constant 0 : i32
      %lt3A_183 = arith.cmpi slt, %rem3A_179, %lt3A_182 : i32
      %lt3A_184 = arith.constant 0 : i32
      %lt3A_185 = arith.cmpi slt, %select_n3A_178, %lt3A_184 : i32
      %ne3A_186 = arith.xori %lt3A_183, %lt3A_185 : i1
      %and3A_187 = arith.andi %ne3A_186, %ne3A_181 : i1
      %add3A_188 = arith.addi %rem3A_179, %select_n3A_178 : i32
      %select_n3A_189 = arith.select %and3A_187, %add3A_188, %rem3A_179 : i32
      %mul3A_190 = arith.constant 16 : i32
      %mul3A_191 = arith.muli %select_n3A_189, %mul3A_190 : i32
      %swap3A_192 = arith.index_cast %select_n3A_173 : i32 to index
      %swap3A_193 = arith.index_cast %mul3A_191 : i32 to index
      %swap3A_194 = tpu.vector_load %arg6[%swap3A_192, %swap3A_193] {strides = array<i32>} : memref<4x128xi32, #tpu.memory_space<vmem>>, vector<16xi32>,
      tpu.vector_store %arg6[%swap3A_192, %swap3A_193], %add3A_149 {strides = array<i32>} : memref<4x128xi32, #tpu.memory_space<vmem>>, vector<16xi32>,
      %scan3A_195 = arith.constant 0 : i32
      %scan3A_196 = arith.constant 2 : i32
      %scan3A_197 = arith.addi %scan3A_102, %scan3A_196 : i32
      %mul3A_198 = arith.constant 16 : i32
      %mul3A_199 = arith.muli %scan3A_197, %mul3A_198 : i32
      %add3A_200 = vector.broadcast %mul3A_199 : i32 to vector<16xi32>
      %add3A_201 = arith.addi %add3A_200, %iota3A : vector<16xi32>
      %jit3A_202 = arith.constant 8 : i32
      %div3A_203 = arith.divsi %scan3A_197, %jit3A_202 : i32
      %sign3A_204 = arith.constant 0 : i32
      %sign3A_205 = arith.cmpi sgt, %scan3A_197, %sign3A_204 : i32
      %sign3A_206 = arith.extui %sign3A_205 : i1 to i32
      %sign3A_207 = arith.constant 0 : i32
      %sign3A_208 = arith.cmpi slt, %scan3A_197, %sign3A_207 : i32
      %sign3A_209 = arith.extui %sign3A_208 : i1 to i32
      %sign3A_210 = arith.subi %sign3A_206, %sign3A_209 : i32
      %sign3A_211 = arith.constant 0 : i32
      %sign3A_212 = arith.cmpi sgt, %jit3A_202, %sign3A_211 : i32
      %sign3A_213 = arith.extui %sign3A_212 : i1 to i32
      %sign3A_214 = arith.constant 0 : i32
      %sign3A_215 = arith.cmpi slt, %jit3A_202, %sign3A_214 : i32
      %sign3A_216 = arith.extui %sign3A_215 : i1 to i32
      %sign3A_217 = arith.subi %sign3A_213, %sign3A_216 : i32
      %ne3A_218 = arith.cmpi ne, %sign3A_210, %sign3A_217 : i32
      %rem3A_219 = arith.remsi %scan3A_197, %jit3A_202 : i32
      %ne3A_220 = arith.constant 0 : i32
      %ne3A_221 = arith.cmpi ne, %rem3A_219, %ne3A_220 : i32
      %and3A_222 = arith.andi %ne3A_218, %ne3A_221 : i1
      %sub3A_223 = arith.constant 1 : i32
      %sub3A_224 = arith.subi %div3A_203, %sub3A_223 : i32
      %select_n3A_225 = arith.select %and3A_222, %sub3A_224, %div3A_203 : i32
      %jit3A_226 = arith.constant 8 : i32
      %eq3A_227 = arith.constant 0 : i32
      %eq3A_228 = arith.cmpi eq, %jit3A_226, %eq3A_227 : i32
      %jit3A_229 = arith.constant 1 : i32
      %select_n3A_230 = arith.select %eq3A_228, %jit3A_229, %jit3A_226 : i32
      %rem3A_231 = arith.remsi %scan3A_197, %select_n3A_230 : i32
      %ne3A_232 = arith.constant 0 : i32
      %ne3A_233 = arith.cmpi ne, %rem3A_231, %ne3A_232 : i32
      %lt3A_234 = arith.constant 0 : i32
      %lt3A_235 = arith.cmpi slt, %rem3A_231, %lt3A_234 : i32
      %lt3A_236 = arith.constant 0 : i32
      %lt3A_237 = arith.cmpi slt, %select_n3A_230, %lt3A_236 : i32
      %ne3A_238 = arith.xori %lt3A_235, %lt3A_237 : i1
      %and3A_239 = arith.andi %ne3A_238, %ne3A_233 : i1
      %add3A_240 = arith.addi %rem3A_231, %select_n3A_230 : i32
      %select_n3A_241 = arith.select %and3A_239, %add3A_240, %rem3A_231 : i32
      %mul3A_242 = arith.constant 16 : i32
      %mul3A_243 = arith.muli %select_n3A_241, %mul3A_242 : i32
      %swap3A_244 = arith.index_cast %select_n3A_225 : i32 to index
      %swap3A_245 = arith.index_cast %mul3A_243 : i32 to index
      %swap3A_246 = tpu.vector_load %arg6[%swap3A_244, %swap3A_245] {strides = array<i32>} : memref<4x128xi32, #tpu.memory_space<vmem>>, vector<16xi32>,
      tpu.vector_store %arg6[%swap3A_244, %swap3A_245], %add3A_201 {strides = array<i32>} : memref<4x128xi32, #tpu.memory_space<vmem>>, vector<16xi32>,
      %scan3A_247 = arith.constant 0 : i32
      %scan3A_248 = arith.constant 3 : i32
      %scan3A_249 = arith.addi %scan3A_102, %scan3A_248 : i32
      %mul3A_250 = arith.constant 16 : i32
      %mul3A_251 = arith.muli %scan3A_249, %mul3A_250 : i32
      %add3A_252 = vector.broadcast %mul3A_251 : i32 to vector<16xi32>
      %add3A_253 = arith.addi %add3A_252, %iota3A : vector<16xi32>
      %jit3A_254 = arith.constant 8 : i32
      %div3A_255 = arith.divsi %scan3A_249, %jit3A_254 : i32
      %sign3A_256 = arith.constant 0 : i32
      %sign3A_257 = arith.cmpi sgt, %scan3A_249, %sign3A_256 : i32
      %sign3A_258 = arith.extui %sign3A_257 : i1 to i32
      %sign3A_259 = arith.constant 0 : i32
      %sign3A_260 = arith.cmpi slt, %scan3A_249, %sign3A_259 : i32
      %sign3A_261 = arith.extui %sign3A_260 : i1 to i32
      %sign3A_262 = arith.subi %sign3A_258, %sign3A_261 : i32
      %sign3A_263 = arith.constant 0 : i32
      %sign3A_264 = arith.cmpi sgt, %jit3A_254, %sign3A_263 : i32
      %sign3A_265 = arith.extui %sign3A_264 : i1 to i32
      %sign3A_266 = arith.constant 0 : i32
      %sign3A_267 = arith.cmpi slt, %jit3A_254, %sign3A_266 : i32
      %sign3A_268 = arith.extui %sign3A_267 : i1 to i32
      %sign3A_269 = arith.subi %sign3A_265, %sign3A_268 : i32
      %ne3A_270 = arith.cmpi ne, %sign3A_262, %sign3A_269 : i32
      %rem3A_271 = arith.remsi %scan3A_249, %jit3A_254 : i32
      %ne3A_272 = arith.constant 0 : i32
      %ne3A_273 = arith.cmpi ne, %rem3A_271, %ne3A_272 : i32
      %and3A_274 = arith.andi %ne3A_270, %ne3A_273 : i1
      %sub3A_275 = arith.constant 1 : i32
      %sub3A_276 = arith.subi %div3A_255, %sub3A_275 : i32
      %select_n3A_277 = arith.select %and3A_274, %sub3A_276, %div3A_255 : i32
      %jit3A_278 = arith.constant 8 : i32
      %eq3A_279 = arith.constant 0 : i32
      %eq3A_280 = arith.cmpi eq, %jit3A_278, %eq3A_279 : i32
      %jit3A_281 = arith.constant 1 : i32
      %select_n3A_282 = arith.select %eq3A_280, %jit3A_281, %jit3A_278 : i32
      %rem3A_283 = arith.remsi %scan3A_249, %select_n3A_282 : i32
      %ne3A_284 = arith.constant 0 : i32
      %ne3A_285 = arith.cmpi ne, %rem3A_283, %ne3A_284 : i32
      %lt3A_286 = arith.constant 0 : i32
      %lt3A_287 = arith.cmpi slt, %rem3A_283, %lt3A_286 : i32
      %lt3A_288 = arith.constant 0 : i32
      %lt3A_289 = arith.cmpi slt, %select_n3A_282, %lt3A_288 : i32
      %ne3A_290 = arith.xori %lt3A_287, %lt3A_289 : i1
      %and3A_291 = arith.andi %ne3A_290, %ne3A_285 : i1
      %add3A_292 = arith.addi %rem3A_283, %select_n3A_282 : i32
      %select_n3A_293 = arith.select %and3A_291, %add3A_292, %rem3A_283 : i32
      %mul3A_294 = arith.constant 16 : i32
      %mul3A_295 = arith.muli %select_n3A_293, %mul3A_294 : i32
      %swap3A_296 = arith.index_cast %select_n3A_277 : i32 to index
      %swap3A_297 = arith.index_cast %mul3A_295 : i32 to index
      %swap3A_298 = tpu.vector_load %arg6[%swap3A_296, %swap3A_297] {strides = array<i32>} : memref<4x128xi32, #tpu.memory_space<vmem>>, vector<16xi32>,
      tpu.vector_store %arg6[%swap3A_296, %swap3A_297], %add3A_253 {strides = array<i32>} : memref<4x128xi32, #tpu.memory_space<vmem>>, vector<16xi32>,
      %scan3A_299 = arith.constant 0 : i32
      scf.yield %scan3A_299 : i32
    }
    %scan3A_13 = arith.constant 32 : i32
    %mul3A_14 = arith.constant 16384 : i32
    %mul3A_15 = arith.muli %add3A, %mul3A_14 : i32
    "tpu.region"() ({
      %run_scoped3A = tpu.sem_alloc : memref<!tpu.dma_semaphore, #tpu.memory_space<semaphore_mem>>
      %dma_start3A_102 = tpu.memref_slice %arg2[%mul3A_15] : memref<524288xi32, #tpu.memory_space<hbm>> -> memref<16384xi32, #tpu.memory_space<hbm>>
      %dma_start3A_103 = tpu.memref_slice %arg2[%mul3A_15] : memref<524288xi32, #tpu.memory_space<hbm>> -> memref<16384xi32, #tpu.memory_space<hbm>>
      tpu.enqueue_dma source(%dma_start3A_103 : memref<16384xi32, #tpu.memory_space<hbm>>) target(%arg5 : memref<16384xi32, #tpu.memory_space<vmem>>) target_semaphore(%run_scoped3A : memref<!tpu.dma_semaphore, #tpu.memory_space<semaphore_mem>>)
      %dma_wait3A_104 = tpu.memref_slice %arg2[%mul3A_15] : memref<524288xi32, #tpu.memory_space<hbm>> -> memref<16384xi32, #tpu.memory_space<hbm>>
      %dma_wait3A_105 = tpu.memref_slice %arg2[%mul3A_15] : memref<524288xi32, #tpu.memory_space<hbm>> -> memref<16384xi32, #tpu.memory_space<hbm>>
      tpu.wait_dma2 semaphore(%run_scoped3A : memref<!tpu.dma_semaphore, #tpu.memory_space<semaphore_mem>>) src(%dma_wait3A_105 : memref<16384xi32, #tpu.memory_space<hbm>>) dst(%arg5 : memref<16384xi32, #tpu.memory_space<vmem>>)
      tpu.yield
    }) : () -> ()
    %parallel_loop3A_16 = arith.constant 0 : i32
    %parallel_loop3A_17 = arith.constant 1024 : i32
    %parallel_loop3A_18 = arith.constant 1 : i32
    scf.for %parallel_loop3A_102 = %parallel_loop3A_16 to %parallel_loop3A_17 step %parallel_loop3A_18  : i32 {
      %parallel_loop3A_103 = arith.constant 16 : i32
      %parallel_loop3A_104 = arith.muli %parallel_loop3A_102, %parallel_loop3A_103 : i32
      %parallel_loop3A_105 = arith.index_cast %parallel_loop3A_104 : i32 to index
      %parallel_loop3A_106 = tpu.vector_load %arg5[%parallel_loop3A_105] {strides = array<i32>} : memref<16384xi32, #tpu.memory_space<vmem>>, vector<16xi32>,
      %parallel_loop3A_107 = arith.constant 7 : i32
      %parallel_loop3A_108 = vector.broadcast %parallel_loop3A_107 : i32 to vector<16xi32>
      %parallel_loop3A_109 = arith.shrsi %parallel_loop3A_106, %parallel_loop3A_108 : vector<16xi32>
      %parallel_loop3A_110 = arith.constant 127 : i32
      %parallel_loop3A_111 = vector.broadcast %parallel_loop3A_110 : i32 to vector<16xi32>
      %parallel_loop3A_112 = arith.andi %parallel_loop3A_106, %parallel_loop3A_111 : vector<16xi32>
      tpu.vector_store_idx %arg4[%parallel_loop3A_109, %parallel_loop3A_112], %broadcast_in_dim3A_3 {add = true} : memref<512x128xi32, #tpu.memory_space<vmem>>[vector<16xi32>, vector<16xi32>], vector<16xi32>,
    } {sc.loop_unroll_factor = 8 : i64, sc.parallel_access}
    %barrier3A = arith.constant 0 : index
    tpu.barrier barrier_id(%barrier3A)
    %dma_start3A = arith.constant 0 : i32
    %dma_start3A_19 = arith.constant 0 : i32
    %dma_start3A_20 = arith.constant 0 : i32
    %dma_start3A_21 = tpu.memref_slice %arg4[%dma_start3A_19, %dma_start3A_20] : memref<512x128xi32, #tpu.memory_space<vmem>> -> memref<128x128xi32, #tpu.memory_space<vmem>>
    %dma_start3A_22 = arith.constant 0 : i32
    %dma_start3A_23 = tpu.memref_slice %arg6[%dma_start3A, %dma_start3A_22] : memref<4x128xi32, #tpu.memory_space<vmem>> -> memref<1x128xi32, #tpu.memory_space<vmem>>
    %dma_start3A_24 = tpu.memref_squeeze %dma_start3A_23 : memref<1x128xi32, #tpu.memory_space<vmem>> -> memref<128xi32, #tpu.memory_space<vmem>>
    %dma_start3A_25 = arith.constant 0 : i32
    %dma_start3A_26 = arith.constant 0 : i32
    %dma_start3A_27 = tpu.memref_slice %arg7[%dma_start3A_25, %dma_start3A_26] : memref<512x128xi32, #tpu.memory_space<vmem_shared>> -> memref<512x128xi32, #tpu.memory_space<vmem_shared>>
    tpu.enqueue_indirect_dma source(%dma_start3A_21 : memref<128x128xi32, #tpu.memory_space<vmem>>) target(%dma_start3A_27 : memref<512x128xi32, #tpu.memory_space<vmem_shared>>) offsets(%dma_start3A_24 : memref<128xi32, #tpu.memory_space<vmem>>) semaphore(%arg8 : memref<!tpu.dma_semaphore, #tpu.memory_space<semaphore_mem>>) {add = true}
    %dma_start3A_28 = arith.constant 1 : i32
    %dma_start3A_29 = arith.constant 128 : i32
    %dma_start3A_30 = arith.constant 0 : i32
    %dma_start3A_31 = tpu.memref_slice %arg4[%dma_start3A_29, %dma_start3A_30] : memref<512x128xi32, #tpu.memory_space<vmem>> -> memref<128x128xi32, #tpu.memory_space<vmem>>
    %dma_start3A_32 = arith.constant 0 : i32
    %dma_start3A_33 = tpu.memref_slice %arg6[%dma_start3A_28, %dma_start3A_32] : memref<4x128xi32, #tpu.memory_space<vmem>> -> memref<1x128xi32, #tpu.memory_space<vmem>>
    %dma_start3A_34 = tpu.memref_squeeze %dma_start3A_33 : memref<1x128xi32, #tpu.memory_space<vmem>> -> memref<128xi32, #tpu.memory_space<vmem>>
    %dma_start3A_35 = arith.constant 0 : i32
    %dma_start3A_36 = arith.constant 0 : i32
    %dma_start3A_37 = tpu.memref_slice %arg7[%dma_start3A_35, %dma_start3A_36] : memref<512x128xi32, #tpu.memory_space<vmem_shared>> -> memref<512x128xi32, #tpu.memory_space<vmem_shared>>
    tpu.enqueue_indirect_dma source(%dma_start3A_31 : memref<128x128xi32, #tpu.memory_space<vmem>>) target(%dma_start3A_37 : memref<512x128xi32, #tpu.memory_space<vmem_shared>>) offsets(%dma_start3A_34 : memref<128xi32, #tpu.memory_space<vmem>>) semaphore(%arg8 : memref<!tpu.dma_semaphore, #tpu.memory_space<semaphore_mem>>) {add = true}
    %dma_start3A_38 = arith.constant 2 : i32
    %dma_start3A_39 = arith.constant 256 : i32
    %dma_start3A_40 = arith.constant 0 : i32
    %dma_start3A_41 = tpu.memref_slice %arg4[%dma_start3A_39, %dma_start3A_40] : memref<512x128xi32, #tpu.memory_space<vmem>> -> memref<128x128xi32, #tpu.memory_space<vmem>>
    %dma_start3A_42 = arith.constant 0 : i32
    %dma_start3A_43 = tpu.memref_slice %arg6[%dma_start3A_38, %dma_start3A_42] : memref<4x128xi32, #tpu.memory_space<vmem>> -> memref<1x128xi32, #tpu.memory_space<vmem>>
    %dma_start3A_44 = tpu.memref_squeeze %dma_start3A_43 : memref<1x128xi32, #tpu.memory_space<vmem>> -> memref<128xi32, #tpu.memory_space<vmem>>
    %dma_start3A_45 = arith.constant 0 : i32
    %dma_start3A_46 = arith.constant 0 : i32
    %dma_start3A_47 = tpu.memref_slice %arg7[%dma_start3A_45, %dma_start3A_46] : memref<512x128xi32, #tpu.memory_space<vmem_shared>> -> memref<512x128xi32, #tpu.memory_space<vmem_shared>>
    tpu.enqueue_indirect_dma source(%dma_start3A_41 : memref<128x128xi32, #tpu.memory_space<vmem>>) target(%dma_start3A_47 : memref<512x128xi32, #tpu.memory_space<vmem_shared>>) offsets(%dma_start3A_44 : memref<128xi32, #tpu.memory_space<vmem>>) semaphore(%arg8 : memref<!tpu.dma_semaphore, #tpu.memory_space<semaphore_mem>>) {add = true}
    %dma_start3A_48 = arith.constant 3 : i32
    %dma_start3A_49 = arith.constant 384 : i32
    %dma_start3A_50 = arith.constant 0 : i32
    %dma_start3A_51 = tpu.memref_slice %arg4[%dma_start3A_49, %dma_start3A_50] : memref<512x128xi32, #tpu.memory_space<vmem>> -> memref<128x128xi32, #tpu.memory_space<vmem>>
    %dma_start3A_52 = arith.constant 0 : i32
    %dma_start3A_53 = tpu.memref_slice %arg6[%dma_start3A_48, %dma_start3A_52] : memref<4x128xi32, #tpu.memory_space<vmem>> -> memref<1x128xi32, #tpu.memory_space<vmem>>
    %dma_start3A_54 = tpu.memref_squeeze %dma_start3A_53 : memref<1x128xi32, #tpu.memory_space<vmem>> -> memref<128xi32, #tpu.memory_space<vmem>>
    %dma_start3A_55 = arith.constant 0 : i32
    %dma_start3A_56 = arith.constant 0 : i32
    %dma_start3A_57 = tpu.memref_slice %arg7[%dma_start3A_55, %dma_start3A_56] : memref<512x128xi32, #tpu.memory_space<vmem_shared>> -> memref<512x128xi32, #tpu.memory_space<vmem_shared>>
    tpu.enqueue_indirect_dma source(%dma_start3A_51 : memref<128x128xi32, #tpu.memory_space<vmem>>) target(%dma_start3A_57 : memref<512x128xi32, #tpu.memory_space<vmem_shared>>) offsets(%dma_start3A_54 : memref<128xi32, #tpu.memory_space<vmem>>) semaphore(%arg8 : memref<!tpu.dma_semaphore, #tpu.memory_space<semaphore_mem>>) {add = true}
    %dma_wait3A = arith.constant 0 : i32
    %dma_wait3A_58 = arith.constant 0 : i32
    %dma_wait3A_59 = arith.constant 0 : i32
    %dma_wait3A_60 = tpu.memref_slice %arg4[%dma_wait3A_58, %dma_wait3A_59] : memref<512x128xi32, #tpu.memory_space<vmem>> -> memref<128x128xi32, #tpu.memory_space<vmem>>
    %dma_wait3A_61 = arith.constant 0 : i32
    %dma_wait3A_62 = tpu.memref_slice %arg6[%dma_wait3A, %dma_wait3A_61] : memref<4x128xi32, #tpu.memory_space<vmem>> -> memref<1x128xi32, #tpu.memory_space<vmem>>
    %dma_wait3A_63 = tpu.memref_squeeze %dma_wait3A_62 : memref<1x128xi32, #tpu.memory_space<vmem>> -> memref<128xi32, #tpu.memory_space<vmem>>
    %dma_wait3A_64 = arith.constant 0 : i32
    %dma_wait3A_65 = arith.constant 0 : i32
    %dma_wait3A_66 = tpu.memref_slice %arg7[%dma_wait3A_64, %dma_wait3A_65] : memref<512x128xi32, #tpu.memory_space<vmem_shared>> -> memref<512x128xi32, #tpu.memory_space<vmem_shared>>
    tpu.wait_indirect_dma semaphore(%arg8 : memref<!tpu.dma_semaphore, #tpu.memory_space<semaphore_mem>>) src(%dma_wait3A_60 : memref<128x128xi32, #tpu.memory_space<vmem>>) dst(%dma_wait3A_66 : memref<512x128xi32, #tpu.memory_space<vmem_shared>>)
    %dma_wait3A_67 = arith.constant 1 : i32
    %dma_wait3A_68 = arith.constant 128 : i32
    %dma_wait3A_69 = arith.constant 0 : i32
    %dma_wait3A_70 = tpu.memref_slice %arg4[%dma_wait3A_68, %dma_wait3A_69] : memref<512x128xi32, #tpu.memory_space<vmem>> -> memref<128x128xi32, #tpu.memory_space<vmem>>
    %dma_wait3A_71 = arith.constant 0 : i32
    %dma_wait3A_72 = tpu.memref_slice %arg6[%dma_wait3A_67, %dma_wait3A_71] : memref<4x128xi32, #tpu.memory_space<vmem>> -> memref<1x128xi32, #tpu.memory_space<vmem>>
    %dma_wait3A_73 = tpu.memref_squeeze %dma_wait3A_72 : memref<1x128xi32, #tpu.memory_space<vmem>> -> memref<128xi32, #tpu.memory_space<vmem>>
    %dma_wait3A_74 = arith.constant 0 : i32
    %dma_wait3A_75 = arith.constant 0 : i32
    %dma_wait3A_76 = tpu.memref_slice %arg7[%dma_wait3A_74, %dma_wait3A_75] : memref<512x128xi32, #tpu.memory_space<vmem_shared>> -> memref<512x128xi32, #tpu.memory_space<vmem_shared>>
    tpu.wait_indirect_dma semaphore(%arg8 : memref<!tpu.dma_semaphore, #tpu.memory_space<semaphore_mem>>) src(%dma_wait3A_70 : memref<128x128xi32, #tpu.memory_space<vmem>>) dst(%dma_wait3A_76 : memref<512x128xi32, #tpu.memory_space<vmem_shared>>)
    %dma_wait3A_77 = arith.constant 2 : i32
    %dma_wait3A_78 = arith.constant 256 : i32
    %dma_wait3A_79 = arith.constant 0 : i32
    %dma_wait3A_80 = tpu.memref_slice %arg4[%dma_wait3A_78, %dma_wait3A_79] : memref<512x128xi32, #tpu.memory_space<vmem>> -> memref<128x128xi32, #tpu.memory_space<vmem>>
    %dma_wait3A_81 = arith.constant 0 : i32
    %dma_wait3A_82 = tpu.memref_slice %arg6[%dma_wait3A_77, %dma_wait3A_81] : memref<4x128xi32, #tpu.memory_space<vmem>> -> memref<1x128xi32, #tpu.memory_space<vmem>>
    %dma_wait3A_83 = tpu.memref_squeeze %dma_wait3A_82 : memref<1x128xi32, #tpu.memory_space<vmem>> -> memref<128xi32, #tpu.memory_space<vmem>>
    %dma_wait3A_84 = arith.constant 0 : i32
    %dma_wait3A_85 = arith.constant 0 : i32
    %dma_wait3A_86 = tpu.memref_slice %arg7[%dma_wait3A_84, %dma_wait3A_85] : memref<512x128xi32, #tpu.memory_space<vmem_shared>> -> memref<512x128xi32, #tpu.memory_space<vmem_shared>>
    tpu.wait_indirect_dma semaphore(%arg8 : memref<!tpu.dma_semaphore, #tpu.memory_space<semaphore_mem>>) src(%dma_wait3A_80 : memref<128x128xi32, #tpu.memory_space<vmem>>) dst(%dma_wait3A_86 : memref<512x128xi32, #tpu.memory_space<vmem_shared>>)
    %dma_wait3A_87 = arith.constant 3 : i32
    %dma_wait3A_88 = arith.constant 384 : i32
    %dma_wait3A_89 = arith.constant 0 : i32
    %dma_wait3A_90 = tpu.memref_slice %arg4[%dma_wait3A_88, %dma_wait3A_89] : memref<512x128xi32, #tpu.memory_space<vmem>> -> memref<128x128xi32, #tpu.memory_space<vmem>>
    %dma_wait3A_91 = arith.constant 0 : i32
    %dma_wait3A_92 = tpu.memref_slice %arg6[%dma_wait3A_87, %dma_wait3A_91] : memref<4x128xi32, #tpu.memory_space<vmem>> -> memref<1x128xi32, #tpu.memory_space<vmem>>
    %dma_wait3A_93 = tpu.memref_squeeze %dma_wait3A_92 : memref<1x128xi32, #tpu.memory_space<vmem>> -> memref<128xi32, #tpu.memory_space<vmem>>
    %dma_wait3A_94 = arith.constant 0 : i32
    %dma_wait3A_95 = arith.constant 0 : i32
    %dma_wait3A_96 = tpu.memref_slice %arg7[%dma_wait3A_94, %dma_wait3A_95] : memref<512x128xi32, #tpu.memory_space<vmem_shared>> -> memref<512x128xi32, #tpu.memory_space<vmem_shared>>
    tpu.wait_indirect_dma semaphore(%arg8 : memref<!tpu.dma_semaphore, #tpu.memory_space<semaphore_mem>>) src(%dma_wait3A_90 : memref<128x128xi32, #tpu.memory_space<vmem>>) dst(%dma_wait3A_96 : memref<512x128xi32, #tpu.memory_space<vmem_shared>>)
    %barrier3A_97 = arith.constant 0 : index
    tpu.barrier barrier_id(%barrier3A_97)
    %mul3A_98 = arith.constant 32 : i32
    %mul3A_99 = arith.muli %arg1, %mul3A_98 : i32
    %mul3A_100 = arith.constant 32 : i32
    %mul3A_101 = arith.muli %arg1, %mul3A_100 : i32
    "tpu.region"() ({
      %run_scoped3A = tpu.sem_alloc : memref<!tpu.dma_semaphore, #tpu.memory_space<semaphore_mem>>
      %dma_start3A_102 = arith.constant 0 : i32
      %dma_start3A_103 = tpu.memref_slice %arg3[%arg0, %mul3A_101, %dma_start3A_102] : memref<2x512x128xi32, #tpu.memory_space<hbm>> -> memref<1x32x128xi32, #tpu.memory_space<hbm>>
      %dma_start3A_104 = tpu.memref_squeeze %dma_start3A_103 : memref<1x32x128xi32, #tpu.memory_space<hbm>> -> memref<32x128xi32, #tpu.memory_space<hbm>>
      %dma_start3A_105 = arith.constant 0 : i32
      %dma_start3A_106 = tpu.memref_slice %arg7[%mul3A_99, %dma_start3A_105] : memref<512x128xi32, #tpu.memory_space<vmem_shared>> -> memref<32x128xi32, #tpu.memory_space<vmem_shared>>
      tpu.enqueue_dma source(%dma_start3A_106 : memref<32x128xi32, #tpu.memory_space<vmem_shared>>) target(%dma_start3A_104 : memref<32x128xi32, #tpu.memory_space<hbm>>) target_semaphore(%run_scoped3A : memref<!tpu.dma_semaphore, #tpu.memory_space<semaphore_mem>>)
      %dma_wait3A_107 = arith.constant 0 : i32
      %dma_wait3A_108 = tpu.memref_slice %arg3[%arg0, %mul3A_101, %dma_wait3A_107] : memref<2x512x128xi32, #tpu.memory_space<hbm>> -> memref<1x32x128xi32, #tpu.memory_space<hbm>>
      %dma_wait3A_109 = tpu.memref_squeeze %dma_wait3A_108 : memref<1x32x128xi32, #tpu.memory_space<hbm>> -> memref<32x128xi32, #tpu.memory_space<hbm>>
      %dma_wait3A_110 = arith.constant 0 : i32
      %dma_wait3A_111 = tpu.memref_slice %arg7[%mul3A_99, %dma_wait3A_110] : memref<512x128xi32, #tpu.memory_space<vmem_shared>> -> memref<32x128xi32, #tpu.memory_space<vmem_shared>>
      tpu.wait_dma2 semaphore(%run_scoped3A : memref<!tpu.dma_semaphore, #tpu.memory_space<semaphore_mem>>) src(%dma_wait3A_111 : memref<32x128xi32, #tpu.memory_space<vmem_shared>>) dst(%dma_wait3A_109 : memref<32x128xi32, #tpu.memory_space<hbm>>)
      tpu.yield
    }) : () -> ()
    return
  }
}

module attributes {stable_mosaic.version = 14 : i64} {
  func.func @_mlp_body(%arg0: i32, %arg1: memref<1x3x64x512xf32, #tpu.memory_space<vmem>>, %arg2: memref<1x1x64x512xf32, #tpu.memory_space<vmem>>, %arg3: memref<128x3xf32, #tpu.memory_space<vmem>>, %arg4: memref<128x1xf32, #tpu.memory_space<vmem>>, %arg5: memref<256x128xf32, #tpu.memory_space<vmem>>, %arg6: memref<256x1xf32, #tpu.memory_space<vmem>>, %arg7: memref<32768xi32, #tpu.memory_space<vmem>>) attributes {dimension_semantics = [#tpu.dimension_semantics<arbitrary>], iteration_bounds = array<i64: 16>, scalar_prefetch = 0 : i64, scratch_operands = 0 : i64, tpu.core_type = #tpu.core_type<tc>, window_params = [{transform_indices = @transform_0, window_bounds = array<i64: 1, 3, 64, 512>}, {transform_indices = @transform_1, window_bounds = array<i64: 1, 1, 64, 512>}, {pipeline_mode = #tpu.pipeline_mode<synchronous>, transform_indices = @transform_2, window_bounds = array<i64: 128, 3>}, {pipeline_mode = #tpu.pipeline_mode<synchronous>, transform_indices = @transform_3, window_bounds = array<i64: 128, 1>}, {pipeline_mode = #tpu.pipeline_mode<synchronous>, transform_indices = @transform_4, window_bounds = array<i64: 256, 128>}, {pipeline_mode = #tpu.pipeline_mode<synchronous>, transform_indices = @transform_5, window_bounds = array<i64: 256, 1>}, {transform_indices = @transform_6, window_bounds = array<i64: 32768>}]} {
    %get3A = arith.constant 0 : index
    %get3A_0 = arith.constant 0 : index
    %get3A_1 = arith.constant 0 : index
    %get3A_2 = arith.constant 0 : index
    %get3A_3 = vector.load %arg1[%get3A, %get3A_0, %get3A_1, %get3A_2] : memref<1x3x64x512xf32, #tpu.memory_space<vmem>>, vector<1x3x64x512xf32>
    %get3A_4 = vector.shape_cast %get3A_3 : vector<1x3x64x512xf32> to vector<3x64x512xf32>
    %reshape3A = vector.shape_cast %get3A_4 : vector<3x64x512xf32> to vector<3x32768xf32>
    %get3A_5 = arith.constant 0 : index
    %get3A_6 = arith.constant 0 : index
    %get3A_7 = vector.load %arg3[%get3A_5, %get3A_6] : memref<128x3xf32, #tpu.memory_space<vmem>>, vector<128x3xf32>
    %dot_general3A = arith.constant dense<0.000000e+00> : vector<128x32768xf32>
    %dot_general3A_8 = tpu.matmul %get3A_7, %reshape3A, %dot_general3A {dimension_numbers = #tpu.dot_dimension_numbers<[1], [0], [0], [1], [0, 0, 1, 1], [], []>, transpose_lhs_hint = false} : vector<128x3xf32>, vector<3x32768xf32>, vector<128x32768xf32> -> vector<128x32768xf32>
    %get3A_9 = arith.constant 0 : index
    %get3A_10 = arith.constant 0 : index
    %get3A_11 = vector.load %arg4[%get3A_9, %get3A_10] : memref<128x1xf32, #tpu.memory_space<vmem>>, vector<128x1xf32>
    %add3A = vector.broadcast %get3A_11 : vector<128x1xf32> to vector<128x32768xf32>
    %add3A_12 = arith.addf %dot_general3A_8, %add3A : vector<128x32768xf32>
    %max3A = arith.constant 0.000000e+00 : f32
    %max3A_13 = vector.broadcast %max3A : f32 to vector<128x32768xf32>
    %max3A_14 = arith.maximumf %add3A_12, %max3A_13 : vector<128x32768xf32>
    %get3A_15 = arith.constant 0 : index
    %get3A_16 = arith.constant 0 : index
    %get3A_17 = vector.load %arg5[%get3A_15, %get3A_16] : memref<256x128xf32, #tpu.memory_space<vmem>>, vector<256x128xf32>
    %dot_general3A_18 = arith.constant dense<0.000000e+00> : vector<256x32768xf32>
    %dot_general3A_19 = tpu.matmul %get3A_17, %max3A_14, %dot_general3A_18 {dimension_numbers = #tpu.dot_dimension_numbers<[1], [0], [0], [1], [0, 0, 1, 1], [], []>, transpose_lhs_hint = false} : vector<256x128xf32>, vector<128x32768xf32>, vector<256x32768xf32> -> vector<256x32768xf32>
    %get3A_20 = arith.constant 0 : index
    %get3A_21 = arith.constant 0 : index
    %get3A_22 = vector.load %arg6[%get3A_20, %get3A_21] : memref<256x1xf32, #tpu.memory_space<vmem>>, vector<256x1xf32>
    %add3A_23 = vector.broadcast %get3A_22 : vector<256x1xf32> to vector<256x32768xf32>
    %add3A_24 = arith.addf %dot_general3A_19, %add3A_23 : vector<256x32768xf32>
    %reduce_max3A = arith.constant dense<0xFF800000> : vector<32768xf32>
    %reduce_max3A_25 = vector.multi_reduction <maximumf>, %add3A_24, %reduce_max3A [0] : vector<256x32768xf32> to vector<32768xf32>
    %broadcast_in_dim3A = vector.shape_cast %reduce_max3A_25 : vector<32768xf32> to vector<1x32768xf32>
    %iota3A = tpu.iota {dimensions = array<i32: 0>} : vector<256x32768xi32>
    %convert_element_type3A = arith.sitofp %iota3A : vector<256x32768xi32> to vector<256x32768xf32>
    %eq3A = vector.broadcast %broadcast_in_dim3A : vector<1x32768xf32> to vector<256x32768xf32>
    %eq3A_26 = arith.cmpf oeq, %add3A_24, %eq3A : vector<256x32768xf32>
    %jit3A = arith.constant 6.553600e+04 : f32
    %broadcast_in_dim3A_27 = vector.broadcast %jit3A : f32 to vector<256x32768xf32>
    %select_n3A = arith.select %eq3A_26, %convert_element_type3A, %broadcast_in_dim3A_27 : vector<256x32768xi1>, vector<256x32768xf32>
    %reduce_min3A = arith.constant dense<0x7F800000> : vector<32768xf32>
    %reduce_min3A_28 = vector.multi_reduction <minimumf>, %select_n3A, %reduce_min3A [0] : vector<256x32768xf32> to vector<32768xf32>
    %convert_element_type3A_29 = arith.fptosi %reduce_min3A_28 : vector<32768xf32> to vector<32768xi32>
    %get3A_30 = arith.constant 0 : index
    %get3A_31 = arith.constant 0 : index
    %get3A_32 = arith.constant 0 : index
    %get3A_33 = arith.constant 0 : index
    %get3A_34 = vector.load %arg2[%get3A_30, %get3A_31, %get3A_32, %get3A_33] : memref<1x1x64x512xf32, #tpu.memory_space<vmem>>, vector<1x1x64x512xf32>
    %get3A_35 = vector.shape_cast %get3A_34 : vector<1x1x64x512xf32> to vector<64x512xf32>
    %reshape3A_36 = vector.shape_cast %get3A_35 : vector<64x512xf32> to vector<32768xf32>
    %mul3A = arith.constant 2.550000e+02 : f32
    %mul3A_37 = vector.broadcast %mul3A : f32 to vector<32768xf32>
    %mul3A_38 = arith.mulf %reshape3A_36, %mul3A_37 : vector<32768xf32>
    %convert_element_type3A_39 = arith.fptosi %mul3A_38 : vector<32768xf32> to vector<32768xi32>
    %mul3A_40 = arith.constant 256 : i32
    %mul3A_41 = vector.broadcast %mul3A_40 : i32 to vector<32768xi32>
    %mul3A_42 = arith.muli %convert_element_type3A_29, %mul3A_41 : vector<32768xi32>
    %add3A_43 = arith.addi %mul3A_42, %convert_element_type3A_39 : vector<32768xi32>
    %swap3A = arith.constant 0 : index
    %swap3A_44 = vector.load %arg7[%swap3A] : memref<32768xi32, #tpu.memory_space<vmem>>, vector<32768xi32>
    tpu.vector_store %arg7[%swap3A], %add3A_43 {strides = array<i32>} : memref<32768xi32, #tpu.memory_space<vmem>>, vector<32768xi32>,
    return
  }
  func.func @transform_0(%arg0: i32) -> (i32, i32, i32, i32) {
    %jit3A = arith.constant 8 : i32
    %div3A = arith.divsi %arg0, %jit3A : i32
    %sign3A = arith.constant 0 : i32
    %sign3A_0 = arith.cmpi sgt, %arg0, %sign3A : i32
    %sign3A_1 = arith.extui %sign3A_0 : i1 to i32
    %sign3A_2 = arith.constant 0 : i32
    %sign3A_3 = arith.cmpi slt, %arg0, %sign3A_2 : i32
    %sign3A_4 = arith.extui %sign3A_3 : i1 to i32
    %sign3A_5 = arith.subi %sign3A_1, %sign3A_4 : i32
    %sign3A_6 = arith.constant 0 : i32
    %sign3A_7 = arith.cmpi sgt, %jit3A, %sign3A_6 : i32
    %sign3A_8 = arith.extui %sign3A_7 : i1 to i32
    %sign3A_9 = arith.constant 0 : i32
    %sign3A_10 = arith.cmpi slt, %jit3A, %sign3A_9 : i32
    %sign3A_11 = arith.extui %sign3A_10 : i1 to i32
    %sign3A_12 = arith.subi %sign3A_8, %sign3A_11 : i32
    %ne3A = arith.cmpi ne, %sign3A_5, %sign3A_12 : i32
    %rem3A = arith.remsi %arg0, %jit3A : i32
    %ne3A_13 = arith.constant 0 : i32
    %ne3A_14 = arith.cmpi ne, %rem3A, %ne3A_13 : i32
    %and3A = arith.andi %ne3A, %ne3A_14 : i1
    %sub3A = arith.constant 1 : i32
    %sub3A_15 = arith.subi %div3A, %sub3A : i32
    %select_n3A = arith.select %and3A, %sub3A_15, %div3A : i32
    %jit3A_16 = arith.constant 8 : i32
    %eq3A = arith.constant 0 : i32
    %eq3A_17 = arith.cmpi eq, %jit3A_16, %eq3A : i32
    %jit3A_18 = arith.constant 1 : i32
    %select_n3A_19 = arith.select %eq3A_17, %jit3A_18, %jit3A_16 : i32
    %rem3A_20 = arith.remsi %arg0, %select_n3A_19 : i32
    %ne3A_21 = arith.constant 0 : i32
    %ne3A_22 = arith.cmpi ne, %rem3A_20, %ne3A_21 : i32
    %lt3A = arith.constant 0 : i32
    %lt3A_23 = arith.cmpi slt, %rem3A_20, %lt3A : i32
    %lt3A_24 = arith.constant 0 : i32
    %lt3A_25 = arith.cmpi slt, %select_n3A_19, %lt3A_24 : i32
    %ne3A_26 = arith.xori %lt3A_23, %lt3A_25 : i1
    %and3A_27 = arith.andi %ne3A_26, %ne3A_22 : i1
    %add3A = arith.addi %rem3A_20, %select_n3A_19 : i32
    %select_n3A_28 = arith.select %and3A_27, %add3A, %rem3A_20 : i32
    %c0_i32 = arith.constant 0 : i32
    %c0_i32_29 = arith.constant 0 : i32
    %c0_i32_30 = arith.constant 0 : i32
    return %select_n3A, %c0_i32, %select_n3A_28, %c0_i32_29 : i32, i32, i32, i32
  }
  func.func @transform_1(%arg0: i32) -> (i32, i32, i32, i32) {
    %jit3A = arith.constant 8 : i32
    %div3A = arith.divsi %arg0, %jit3A : i32
    %sign3A = arith.constant 0 : i32
    %sign3A_0 = arith.cmpi sgt, %arg0, %sign3A : i32
    %sign3A_1 = arith.extui %sign3A_0 : i1 to i32
    %sign3A_2 = arith.constant 0 : i32
    %sign3A_3 = arith.cmpi slt, %arg0, %sign3A_2 : i32
    %sign3A_4 = arith.extui %sign3A_3 : i1 to i32
    %sign3A_5 = arith.subi %sign3A_1, %sign3A_4 : i32
    %sign3A_6 = arith.constant 0 : i32
    %sign3A_7 = arith.cmpi sgt, %jit3A, %sign3A_6 : i32
    %sign3A_8 = arith.extui %sign3A_7 : i1 to i32
    %sign3A_9 = arith.constant 0 : i32
    %sign3A_10 = arith.cmpi slt, %jit3A, %sign3A_9 : i32
    %sign3A_11 = arith.extui %sign3A_10 : i1 to i32
    %sign3A_12 = arith.subi %sign3A_8, %sign3A_11 : i32
    %ne3A = arith.cmpi ne, %sign3A_5, %sign3A_12 : i32
    %rem3A = arith.remsi %arg0, %jit3A : i32
    %ne3A_13 = arith.constant 0 : i32
    %ne3A_14 = arith.cmpi ne, %rem3A, %ne3A_13 : i32
    %and3A = arith.andi %ne3A, %ne3A_14 : i1
    %sub3A = arith.constant 1 : i32
    %sub3A_15 = arith.subi %div3A, %sub3A : i32
    %select_n3A = arith.select %and3A, %sub3A_15, %div3A : i32
    %jit3A_16 = arith.constant 8 : i32
    %eq3A = arith.constant 0 : i32
    %eq3A_17 = arith.cmpi eq, %jit3A_16, %eq3A : i32
    %jit3A_18 = arith.constant 1 : i32
    %select_n3A_19 = arith.select %eq3A_17, %jit3A_18, %jit3A_16 : i32
    %rem3A_20 = arith.remsi %arg0, %select_n3A_19 : i32
    %ne3A_21 = arith.constant 0 : i32
    %ne3A_22 = arith.cmpi ne, %rem3A_20, %ne3A_21 : i32
    %lt3A = arith.constant 0 : i32
    %lt3A_23 = arith.cmpi slt, %rem3A_20, %lt3A : i32
    %lt3A_24 = arith.constant 0 : i32
    %lt3A_25 = arith.cmpi slt, %select_n3A_19, %lt3A_24 : i32
    %ne3A_26 = arith.xori %lt3A_23, %lt3A_25 : i1
    %and3A_27 = arith.andi %ne3A_26, %ne3A_22 : i1
    %add3A = arith.addi %rem3A_20, %select_n3A_19 : i32
    %select_n3A_28 = arith.select %and3A_27, %add3A, %rem3A_20 : i32
    %c0_i32 = arith.constant 0 : i32
    %c0_i32_29 = arith.constant 0 : i32
    %c0_i32_30 = arith.constant 0 : i32
    return %select_n3A, %c0_i32, %select_n3A_28, %c0_i32_29 : i32, i32, i32, i32
  }
  func.func @transform_2(%arg0: i32) -> (i32, i32) {
    %c0_i32 = arith.constant 0 : i32
    %c0_i32_0 = arith.constant 0 : i32
    %c0_i32_1 = arith.constant 0 : i32
    return %c0_i32, %c0_i32_0 : i32, i32
  }
  func.func @transform_3(%arg0: i32) -> (i32, i32) {
    %c0_i32 = arith.constant 0 : i32
    %c0_i32_0 = arith.constant 0 : i32
    %c0_i32_1 = arith.constant 0 : i32
    return %c0_i32, %c0_i32_0 : i32, i32
  }
  func.func @transform_4(%arg0: i32) -> (i32, i32) {
    %c0_i32 = arith.constant 0 : i32
    %c0_i32_0 = arith.constant 0 : i32
    %c0_i32_1 = arith.constant 0 : i32
    return %c0_i32, %c0_i32_0 : i32, i32
  }
  func.func @transform_5(%arg0: i32) -> (i32, i32) {
    %c0_i32 = arith.constant 0 : i32
    %c0_i32_0 = arith.constant 0 : i32
    %c0_i32_1 = arith.constant 0 : i32
    return %c0_i32, %c0_i32_0 : i32, i32
  }
  func.func @transform_6(%arg0: i32) -> i32 {
    %c0_i32 = arith.constant 0 : i32
    return %arg0 : i32
  }
}

</mosaic_0001>

<sc_bundles>
// kernel: kernel.4.cloned.1.call-start
scs
__scs_entry_jumppad:
0x0: {  	(pc) =	sbr.rel $0x88, $3  }
0x1: {  	(tag) =	ssettag $0x0;
	lr =	simm.s32 $0x1  }
0x2: {  	[smem:$0x3F9B] =	sst lr;
	_ =	strace $0xD0000000  }
0x3: {  	_ = 	snop  }
0x4: {  	_ = 	snop  }
0x5: {  	_ = 	snop  }
0x6: {  	_ = 	snop  }
0x7: {  	_ = 	snop  }
__scs_overlays_trampoline_lowered:
0x8: {  	[smem:$0x3FAA] =	sst s0  }
0x9: {  	[smem:$0x3FAB] =	sst s1  }
0xa: {  	[smem:$0x3FAC] =	sst s2  }
0xb: {  	[smem:$0x3FAD] =	sst s3  }
0xc: {  	[smem:$0x3FAE] =	sst s4  }
0xd: {  	[smem:$0x3FAF] =	sst s5  }
0xe: {  	[smem:$0x3FB0] =	sst s6  }
0xf: {  	[smem:$0x3FB1] =	sst s7  }
0x10: {  	[smem:$0x3FB2] =	sst s8  }
0x11: {  	[smem:$0x3FB3] =	sst s9;
	s0 =	simm.s32 @!p0 $0x0  }
0x12: {  	s1 =	sld [smem:$0x3F99];
	s0 =	simm.s32 @p0 $0x1  }
0x13: {  	[smem:$0x3FB4] =	sst s0;
	s0 =	simm.s32 @!p1 $0x0  }
0x14: {  	s2 =	sld [smem:$0x3F98];
	s0 =	simm.s32 @p1 $0x1  }
0x15: {  	[smem:$0x3FB5] =	sst s0;
	s0 =	simm.s32 @!p2 $0x0  }
0x16: {  	s3 =	sld [smem:$0x3FDB];
	s0 =	simm.s32 @p2 $0x1  }
0x17: {  	s4 =	simm.s32 $0x1BF5;
	[smem:$0x3FB7] =	sst s0  }
0x18: {  	s0 =	sld [smem:$0x3F9A];
	_ =	swait.ge [sflag:s4], $0x0  }
0x19: {  	s7 =	sld [smem:$0x3F9B]  }
0x1a: {  	s8 =	sadd.s32 $0xFFFFE003, lr  }
0x1b: {  	s9 =	sadd.s32 $0xFFFFFEF7, lr;
	s5 =	simm.s32 $0xFFFFFFFF;
	p2 =	slt.u32 s8, $0xFFFFF086  }
0x1c: {  	p1 =	slt.u32 s9, $0xF7A;
	s5 =	simm.s32 @!p2 $0x0  }
0x1d: {  	s5 =	simm.s32 @p1 $0x1;
	p0 =	seq.s32 s7, s2  }
0x1e: {  	s7 =	smul.u32 @!p0 $0xF7A, s2;
	p2 =	seq.s32 @!p0 s5, $0x0  }
0x1f: {  	s9 =	smul.u32 $0xF7A, s1;
	s8 =	simm.s32 @!p0 $0x1BF5;
	p2 =	por !p2, p0  }
0x20: {  	[sflag:s8] =	ssyncset.s32 @!p0 $0xFFFFF086;
	s6 =	sadd.s32 @!p0 s3, s7;
	s7 =	simm.s32 @!p0 $0x108  }
0x21: {  	s3 =	sadd.s32 s3, s9;
	s6 =	sadd.s32 @!p0 $0x88, s6;
	s7 =	simm.s32 @p2 $0x1082  }
0x22: {  	[simem:s7], [sflag:s8] =	dma.local @!p0 [hbm:s6], $0xF7A  }
0x23: {  	s9 =	sor.u32 $0xD0000000, s2;
	s6 =	simm.s32 $0x108;
	_ =	swait.ge @!p0 [sflag:s8], $0x0  }
0x24: {  	s3 =	sadd.s32 $0x88, s3;
	s6 =	simm.s32 @!p1 $0x1082;
	[sflag:s4] =	ssyncset.s32 $0xFFFFF086  }
0x25: {  	[simem:s6], [sflag:s4] =	dma.local [hbm:s3], $0xF7A  }
0x26: {  	[smem:$0x3F9B] =	sst s1;
	(tag) =	ssettag s2;
	_ =	strace s9  }
0x27: {  	s1 =	sld [smem:$0x3FAB]  }
0x28: {  	s2 =	sld [smem:$0x3FAC]  }
0x29: {  	s4 =	sld [smem:$0x3FAE]  }
0x2a: {  	p0 =	seq.s32 s5, $0x0;
	s5 =	sld [smem:$0x3FAF]  }
0x2b: {  	s6 =	sld [smem:$0x3FB0]  }
0x2c: {  	s7 =	sld [smem:$0x3FB1]  }
0x2d: {  	s3 =	simm.s32 $0x108;
	s8 =	sld [smem:$0x3FB2]  }
0x2e: {  	s3 =	simm.s32 @!p0 $0x1082;
	s9 =	sld [smem:$0x3FB3]  }
0x2f: {  	lr =	sadd.s32 s0, s3;
	s0 =	sld [smem:$0x3FAA]  }
0x30: {  	s3 =	sld [smem:$0x3FAD]  }
0x31: {  	[smem:$0x3FB6] =	sst s10  }
0x32: {  	s10 =	sld [smem:$0x3FB4];
	_ =	sdelay $0x3  }
0x33: {  	p0 =	seq.s32 s10, $0x1;
	s10 =	sld [smem:$0x3FB6];
	_ =	sdelay $0x3  }
0x34: {  	[smem:$0x3FB6] =	sst s10  }
0x35: {  	s10 =	sld [smem:$0x3FB5];
	_ =	sdelay $0x3  }
0x36: {  	p1 =	seq.s32 s10, $0x1;
	s10 =	sld [smem:$0x3FB6];
	_ =	sdelay $0x3  }
0x37: {  	[smem:$0x3FB6] =	sst s10  }
0x38: {  	s10 =	sld [smem:$0x3FB7]  }
0x39: {  	_ = 	snop;
	(pc) =	sbr.ind lr, $3  }
0x3a: {  	_ = 	snop  }
0x3b: {  	_ = 	snop  }
0x3c: {  	p2 =	seq.s32 s10, $0x1;
	s10 =	sld [smem:$0x3FB6]  }
0x3d: {  	_ =	shalt  }
0x3e: {  	_ =	shalt  }
0x3f: {  	_ =	shalt  }
0x40: {  	_ =	shalt  }
0x41: {  	_ =	shalt  }
0x42: {  	_ =	shalt  }
0x43: {  	_ =	shalt  }
0x44: {  	_ =	shalt  }
0x45: {  	_ =	shalt  }
0x46: {  	_ =	shalt  }
0x47: {  	_ =	shalt  }
0x48: {  	_ =	shalt  }
0x49: {  	_ =	shalt  }
0x4a: {  	_ =	shalt  }
0x4b: {  	_ =	shalt  }
0x4c: {  	_ =	shalt  }
0x4d: {  	_ =	shalt  }
0x4e: {  	_ =	shalt  }
0x4f: {  	_ =	shalt  }
0x50: {  	_ =	shalt  }
0x51: {  	_ =	shalt  }
0x52: {  	_ =	shalt  }
0x53: {  	_ =	shalt  }
0x54: {  	_ =	shalt  }
0x55: {  	_ =	shalt  }
0x56: {  	_ =	shalt  }
0x57: {  	_ =	shalt  }
0x58: {  	_ =	shalt  }
0x59: {  	_ =	shalt  }
0x5a: {  	_ =	shalt  }
0x5b: {  	_ =	shalt  }
0x5c: {  	_ =	shalt  }
0x5d: {  	_ =	shalt  }
0x5e: {  	_ =	shalt  }
0x5f: {  	_ =	shalt  }
0x60: {  	_ =	shalt  }
0x61: {  	_ =	shalt  }
0x62: {  	_ =	shalt  }
0x63: {  	_ =	shalt  }
0x64: {  	_ =	shalt  }
0x65: {  	_ =	shalt  }
0x66: {  	_ =	shalt  }
0x67: {  	_ =	shalt  }
0x68: {  	_ =	shalt  }
0x69: {  	_ =	shalt  }
0x6a: {  	_ =	shalt  }
0x6b: {  	_ =	shalt  }
0x6c: {  	_ =	shalt  }
0x6d: {  	_ =	shalt  }
0x6e: {  	_ =	shalt  }
0x6f: {  	_ =	shalt  }
0x70: {  	_ =	shalt  }
0x71: {  	_ =	shalt  }
0x72: {  	_ =	shalt  }
0x73: {  	_ =	shalt  }
0x74: {  	_ =	shalt  }
0x75: {  	_ =	shalt  }
0x76: {  	_ =	shalt  }
0x77: {  	_ =	shalt  }
0x78: {  	_ =	shalt  }
0x79: {  	_ =	shalt  }
0x7a: {  	_ =	shalt  }
0x7b: {  	_ =	shalt  }
0x7c: {  	_ =	shalt  }
0x7d: {  	_ =	shalt  }
0x7e: {  	_ =	shalt  }
0x7f: {  	_ =	shalt  }
0x80: {  	_ =	shalt  }
0x81: {  	_ =	shalt  }
0x82: {  	_ =	shalt  }
0x83: {  	_ =	shalt  }
0x84: {  	_ =	shalt  }
0x85: {  	_ =	shalt  }
0x86: {  	_ =	shalt  }
0x87: {  	_ =	shalt  }
.Lfunc_end0:
.L_simem_size_0:
called_computation_lowered:
.L_overlay_start_0:
0x88: {  	s2 =	sld [smem:$0x3FD9]  }
0x89: {  	s3 =	sld [smem:$0x3FFE];
	_ =	sdelay $0x1  }
0x8a: {  	s1 =	srdreg.scid  }
0x8b: {  	s0 =	sand.u32 $0x1, s1  }
0x8c: {  	s16 =	sshll.u32 s0, $0xA;
	s2 =	sadd.s32 s3, s2  }
0x8d: {  	s2 =	sadd.s32 s2, s16  }
0x8e: {  	[smem:$0x3FC2] =	sst s2  }
0x8f: {  	_ = 	snop  }
0x90: {  	(tm) =	ssettm $0x1  }
0x91: {  	s17 =	sld [smem:$0x3FFB];
	_ =	sdelay $0x3  }
0x92: {  	_ =	strace s17  }
0x93: {  	s2 =	sld [smem:$0x3FFC];
	_ =	sdelay $0x3  }
0x94: {  	_ =	strace s2  }
0x95: {  	s2 =	sld [smem:$0x3FFD];
	_ =	sdelay $0x3  }
0x96: {  	_ =	strace s2  }
0x97: {  	_ =	strace $0x8FFFFFFF  }
0x98: {  	s18 =	sld [smem:$0x3FDB];
	_ =	sdelay $0x1  }
0x99: {  	s19 =	simm.s32 $_scs_section_size  }
0x9a: {  	s4 =	simm.s32 $_size__tile_overlayer_lowered;
	s5 =	simm.s32 $_tile_overlayer_lowered  }
0x9b: {  	s22 =	simm.s32 $0x1BFF;
	s21 =	sshll.u32 s5, $0x1;
	s2 =	sadd.s32 s19, s18  }
0x9c: {  	s6 =	simm.s32 $0x0;
	s20 =	sshll.u32 s4, $0x1;
	s4 =	sadd.s32 s21, s2  }
0x9d: {  	[timem:s6], [sflag:s22] =	dma.local [hbm:s4], s20  }
0x9e: {  	_ =	swait.ge [sflag:s22], s20  }
0x9f: {  	s3 =	ssub.s32 $0x0, s20;
	[sflag:s22] =	ssyncset.done $0x0  }
0xa0: {  	[sflag:s22] =	ssyncadd.s32 s3;
	_ =	sdelay $0x1  }
0xa1: {  	s23 =	simm.s32 $0x1B8B  }
0xa2: {  	_ =	swait.ge [sflag:s23], $0x1  }
0xa3: {  	[sflag:s23] =	ssyncset.done $0x0  }
0xa4: {  	s25 =	simm.s32 $0x1B8E;
	s24 =	sld [smem:$0x3FFE];
	[sflag:s23] =	ssyncadd.s32 $0xFFFFFFFF  }
0xa5: {  	s26 =	simm.s32 $execute0_lowered;
	[smem:$0x3FD2] =	sst s25  }
0xa6: {  	s4 =	sshll.u32 s26, $0x1;
	_ =	strace $0x80000046;
	[dreg:$0x1] =	wrdreg $0xFFFFFFFF  }
0xa7: {  	s28 =	simm.s32 $_size_execute0_lowered;
	s2 =	sadd.s32 s2, s4;
	[dreg:$0x0] =	wrdreg $0x0  }
0xa8: {  	s4 =	sshll.u32 s28, $0x1;
	[dreg:$0x2] =	wrdreg s2  }
0xa9: {  	[dreg:$0x3] =	wrdreg s4  }
0xaa: {  	[dreg:$0x4] =	wrdreg $0xC0  }
0xab: {  	_ =	task [dreg:s6], $0x5FFFF  }
0xac: {  	[dreg:$0x1] =	wrdreg $0xFFFFFFFF  }
0xad: {  	[dreg:$0x0] =	wrdreg $0x60  }
0xae: {  	[dreg:$0x2] =	wrdreg s24  }
0xaf: {  	[dreg:$0x3] =	wrdreg $0x142000  }
0xb0: {  	[dreg:$0x4] =	wrdreg $0x9  }
0xb1: {  	_ =	task.clear_ibuf [dreg:s6], $0x5FFFF;
	_ =	strace $0x90000046  }
0xb2: {  	s29 =	simm.s32 $0x9;
	_ =	strace $0x80000048  }
0xb3: {  	_ =	swait.ge [sflag:s29], $0x1  }
0xb4: {  	[sflag:s29] =	ssyncadd.s32 $0xFFFFFFFF  }
0xb5: {  	_ =	strace $0x90000048  }
0xb6: {  	_ =	sfence  }
0xb7: {  	s30 =	sld [smem:$0x0];
	_ =	sdelay $0x2  }
0xb8: {  	s31 =	sshll.u32 s1, $0xD;
	s1 =	sshrl.u32 s1, $0x2  }
0xb9: {  	s3 =	sand.u32 $0x4000, s31;
	s1 =	sadd.s32 s1, s30  }
0xba: {  	s0 =	sor.u32 s3, s0;
	s1 =	sshll.u32 s1, $0x11  }
0xbb: {  	s0 =	sor.u32 s1, s0  }
0xbc: {  	s0 =	sadd.s32 $0x8F2B, s0  }
0xbd: {  	[sflag:s0] =	ssyncadd.remote.s32 $0x1  }
0xbe: {  	_ =	sfence.sel $0xFFFF  }
0xbf: {  	[dreg:$0x0] =	wrdreg $0xFFFFFFFF;
	(pc) =	sbr.abs _section_cstart, $3  }
0xc0: {  	[dreg:$0x1] =	wrdreg $0xFFFFFFFF  }
0xc1: {  	_ =	task.clear_ibuf [dreg:s6], $0x2FFFF;
	_ =	strace $0x9FFFFFFF  }
0xc2: {  	(tm) =	ssettm $0x7FFFFFFF  }
0xc3: {  	_ =	shalt  }
tec
execute0_lowered:
.L_overlay_start_1:
0x0: {  	(tag) =	ssettag $0x1  }
0x1: {  	s4 =	rddreg [dreg:$0x0]  }
0x2: {  	s1 =	rddreg [dreg:$0x1]  }
0x3: {  	s3 =	srdreg.scid;
	s0 =	rddreg [dreg:$0x2]  }
0x4: {  	s2 =	stileid.u32;
	s10 =	simm.s32 $0x14000;
	s11 =	simm.s32 $0x14080  }
0x5: {  	s12 =	simm.s32 $0x4000;
	s13 =	simm.s32 $0x14100;
	s14 =	simm.s32 $0x8000  }
0x6: {  	s15 =	simm.s32 $0x14180;
	s16 =	simm.s32 $0xC000;
	s17 =	simm.s32 $0x1  }
0x7: {  	s19 =	simm.s32 $0x0;
	s5 =	sand.u32 $0x1, s3;
	s3 =	simm.s32 $0x0  }
0x8: {  	s7 =	sshll.u32 s2, $0xE;
	s8 =	sshll.u32 s2, $0x9;
	p0 =	sne.s32 s2, $0x0  }
0x9: {  	s6 =	sshll.u32 s5, $0x12;
	[smem:$0x7FF] =	sst s3;
	s9 =	ssub.s32 $0x2, s5  }
0xa: {  	s5 =	sshll.u32 s5, $0xD;
	s6 =	sor.u32 s7, s6;
	_ =	strace $0x80000047  }
0xb: {  	s31 =	sshrl.u32 s9, $0x1;
	s7 =	sshrl.u32 s7, $0x2;
	s6 =	sshrl.u32 s6, $0x3  }
0xc: {  	s18 =	sadd.s32 s7, s1;
	s7 =	simm.s32 $0x10000;
	s6 =	sadd.s32 s6, s4  }
0xd: {  	s4 =	sadd.s32 s8, s4;
	s8 =	ssub.s32 s9, s31;
	s9 =	simm.s32 $0x80  }
0xe: {  	s18 =	sshrl.u32 s18, $0x3;
	s5 =	sadd.s32 s5, s4;
	s4 =	sadd.s32 $0xC00, s6  }
0xf: {  	v0 =	vimm.s32 $0x0;
	v1 =	vlaneseq.u32;
	v2 =	vimm.s32 $0x1;
	s6 =	smax.u32 s8, $0x1;
	s8 =	simm.s32 $0x2;
	s5 =	sadd.s32 $0x10C00, s5  }
.LBB2_1:
0x10: {  	s20 =	simm.s32 $0x40  }
0x11: {  	[tilespmem:s20+$0xFFFFFFC0] =	vst v0  }
0x12: {  	[tilespmem:s20+$0x30] =	vst v0  }
0x13: {  	[tilespmem:s20+$0x20] =	vst v0  }
0x14: {  	[tilespmem:s20+$0x10] =	vst v0  }
0x15: {  	[tilespmem:s20+$0x0] =	vst v0  }
0x16: {  	[tilespmem:s20+$0xFFFFFFF0] =	vst v0  }
0x17: {  	s21 =	simm.s32 $0x0;
	[tilespmem:s20+$0xFFFFFFE0] =	vst v0  }
.LBB2_2:
0x18: {  	s21 =	sadd.s32 $0x8, s21;
	[tilespmem:s20+$0xFFFFFFD0] =	vst v0;
	s20 =	sadd.s32 $0x80, s20  }
0x19: {  	[tilespmem:s20+$0xFFFFFFC0] =	vst v0;
	p1 =	slt.u32 s21, $0xFF8  }
0x1a: {  	[tilespmem:s20+$0x30] =	vst v0  }
.Ltmp0:
0x1b: {  	[tilespmem:s20+$0x20] =	vst v0;
	(pc) =	sbr.rel @p1 .LBB2_2-.Ltmp0, $4  }
0x1c: {  	[tilespmem:s20+$0x10] =	vst v0  }
0x1d: {  	[tilespmem:s20+$0x0] =	vst v0  }
0x1e: {  	[tilespmem:s20+$0xFFFFFFF0] =	vst v0  }
0x1f: {  	[tilespmem:s20+$0xFFFFFFE0] =	vst v0  }
0x20: {  	[tilespmem:s20+$0xFFFFFFD0] =	vst v0;
	s20 =	simm.s32 @!p0 $0x0  }
0x21: {  	[spmem:s1] =	stream.linear.scatter @!p0 [tilespmem:s20], [sflag:$0x2], $0x10000, $0x38;
	[tilespmem:$0x15200] =	vst v63  }
0x22: {  	s20 =	simm.s32 @!p0 $0x2  }
0x23: {  	s21 =	simm.s32 $0x0;
	_ =	swait.ge @!p0 [sflag:s20], $0x10000  }
0x24: {  	s23 =	simm.s32 $0x30;
	s25 =	sand.u32 $0x600, s21;
	[sflag:s20] =	ssyncset.done @!p0 $0x0  }
0x25: {  	s26 =	simm.s32 $0x0;
	[sflag:s20] =	ssyncadd.s32 @!p0 $0xFFFF0000;
	s20 =	sshrl.u32 s25, $0x2  }
0x26: {  	s22 =	simm.s32 $0x10;
	s24 =	sand.u32 $0x40, s26;
	s20 =	sor.u32 $0x14000, s20  }
0x27: {  	v3 =	vor.u32 s26, v1;
	s29 =	sand.u32 $0x50, s22;
	s25 =	simm.s32 $0x20;
	s28 =	sor.u32 s24, s20  }
0x28: {  	s26 =	sand.u32 $0x70, s23;
	s31 =	sand.u32 $0x60, s25;
	s30 =	sor.u32 s29, s20;
	[tilespmem:s28+$0x0] =	vst v3;
	v3 =	vor.u32 s22, v1  }
0x29: {  	s21 =	sor.u32 s26, s20;
	s20 =	sor.u32 s31, s20;
	[tilespmem:s30+$0x0] =	vst v3;
	v3 =	vor.u32 s25, v1  }
0x2a: {  	s22 =	simm.s32 $0x4;
	[tilespmem:s20+$0x0] =	vst v3;
	v3 =	vor.u32 s23, v1;
	s20 =	simm.s32 $0x70;
	s23 =	simm.s32 $0x100  }
.LBB2_4:
0x2b: {  	s24 =	sand.u32 $0x600, s23;
	s25 =	sadd.s32 $0xFFFFFFF0, s20  }
0x2c: {  	s26 =	sand.u32 $0x70, s20;
	[tilespmem:s21+$0x0] =	vst v3;
	s21 =	sadd.s32 $0xFFFFFFD0, s20;
	s22 =	sadd.s32 $0x4, s22  }
0x2d: {  	s28 =	sadd.s32 $0xFFFFFFE0, s20;
	s24 =	sshrl.u32 s24, $0x2;
	p1 =	slt.u32 s22, $0x1C  }
.Ltmp1:
0x2e: {  	s29 =	sand.u32 $0x40, s21;
	s24 =	sor.u32 $0x14000, s24;
	(pc) =	sbr.rel @p1 .LBB2_4-.Ltmp1, $4  }
0x2f: {  	v3 =	vor.u32 s21, v1;
	s30 =	sand.u32 $0x50, s28;
	s29 =	sor.u32 s29, s24;
	s21 =	sor.u32 s26, s24  }
0x30: {  	s26 =	sor.u32 s30, s24;
	[tilespmem:s29+$0x0] =	vst v3;
	v3 =	vor.u32 s28, v1;
	s28 =	sand.u32 $0x60, s25  }
0x31: {  	[tilespmem:s26+$0x0] =	vst v3;
	v3 =	vor.u32 s25, v1;
	s24 =	sor.u32 s28, s24  }
0x32: {  	s23 =	sadd.s32 $0x100, s23;
	[tilespmem:s24+$0x0] =	vst v3;
	v3 =	vor.u32 s20, v1;
	s20 =	sadd.s32 $0x40, s20  }
0x33: {  	s22 =	sand.u32 $0x600, s23  }
0x34: {  	s31 =	sadd.s32 $0xFFFFFFD0, s20;
	s22 =	sshrl.u32 s22, $0x2  }
0x35: {  	s24 =	sadd.s32 $0xFFFFFFE0, s20;
	s25 =	sand.u32 $0x40, s31;
	s22 =	sor.u32 $0x14000, s22  }
0x36: {  	s26 =	sadd.s32 $0xFFFFFFF0, s20;
	[tilespmem:s21+$0x0] =	vst v3;
	v3 =	vor.u32 s31, v1;
	s23 =	sor.u32 s25, s22;
	s25 =	sand.u32 $0x50, s24  }
0x37: {  	s29 =	sand.u32 $0x60, s26;
	[tilespmem:s23+$0x0] =	vst v3;
	v3 =	vor.u32 s24, v1;
	s28 =	sor.u32 s25, s22  }
0x38: {  	s30 =	sand.u32 $0x70, s20;
	s31 =	sor.u32 s29, s22;
	[tilespmem:s28+$0x0] =	vst v3;
	v3 =	vor.u32 s26, v1  }
0x39: {  	s22 =	sor.u32 s30, s22;
	[tilespmem:s31+$0x0] =	vst v3;
	v3 =	vor.u32 s20, v1  }
0x3a: {  	[tilespmem:s22+$0x0] =	vst v3  }
0x3b: {  	[tilespmem:s7], [sflag:$0x2] =	stream.linear.gather [hbm4b:s4+s3], $0x4000, $0x38;
	[tilespmem:$0x15200] =	vst v63  }
0x3c: {  	_ =	swait.ge [sflag:s8], $0x4000  }
0x3d: {  	[sflag:s8] =	ssyncset.done $0x0  }
0x3e: {  	s20 =	simm.s32 $0x10040;
	[sflag:s8] =	ssyncadd.s32 $0xFFFFC000  }
0x3f: {  	v4 =	vld [tilespmem:s20+$0xFFFFFFC0]  }
0x40: {  	v5 =	vld [tilespmem:s20+$0x30]  }
0x41: {  	v6 =	vld [tilespmem:s20+$0x20]  }
0x42: {  	v7 =	vld [tilespmem:s20+$0x10]  }
0x43: {  	v8 =	vld [tilespmem:s20+$0x0]  }
0x44: {  	v9 =	vld [tilespmem:s20+$0xFFFFFFF0]  }
0x45: {  	v10 =	vld [tilespmem:s20+$0xFFFFFFE0]  }
0x46: {  	v3 =	vld [tilespmem:s20+$0xFFFFFFD0]  }
0x47: {  	[tilespmem:v4+s3+$0x0] =	vst.idx.add.s32.msk $0xffff, v2  }
0x48: {  	[tilespmem:v5+s3+$0x0] =	vst.idx.add.s32.msk $0xffff, v2  }
0x49: {  	[tilespmem:v6+s3+$0x0] =	vst.idx.add.s32.msk $0xffff, v2  }
0x4a: {  	[tilespmem:v7+s3+$0x0] =	vst.idx.add.s32.msk $0xffff, v2  }
0x4b: {  	[tilespmem:v8+s3+$0x0] =	vst.idx.add.s32.msk $0xffff, v2  }
0x4c: {  	[tilespmem:v9+s3+$0x0] =	vst.idx.add.s32.msk $0xffff, v2  }
0x4d: {  	s21 =	simm.s32 $0x0;
	[tilespmem:v10+s3+$0x0] =	vst.idx.add.s32.msk $0xffff, v2  }
.LBB2_6:
0x4e: {  	s21 =	sadd.s32 $0x8, s21;
	[tilespmem:v3+s3+$0x0] =	vst.idx.add.s32.msk $0xffff, v2;
	s20 =	sadd.s32 $0x80, s20  }
0x4f: {  	v4 =	vld [tilespmem:s20+$0xFFFFFFC0];
	p1 =	slt.u32 s21, $0x3F8  }
0x50: {  	v5 =	vld [tilespmem:s20+$0x30]  }
0x51: {  	v6 =	vld [tilespmem:s20+$0x20]  }
0x52: {  	v7 =	vld [tilespmem:s20+$0x10]  }
0x53: {  	v8 =	vld [tilespmem:s20+$0x0]  }
0x54: {  	v9 =	vld [tilespmem:s20+$0xFFFFFFF0]  }
0x55: {  	v10 =	vld [tilespmem:s20+$0xFFFFFFE0]  }
0x56: {  	v3 =	vld [tilespmem:s20+$0xFFFFFFD0]  }
0x57: {  	[tilespmem:v4+s3+$0x0] =	vst.idx.add.s32.msk $0xffff, v2  }
0x58: {  	[tilespmem:v5+s3+$0x0] =	vst.idx.add.s32.msk $0xffff, v2  }
.Ltmp2:
0x59: {  	[tilespmem:v6+s3+$0x0] =	vst.idx.add.s32.msk $0xffff, v2;
	(pc) =	sbr.rel @p1 .LBB2_6-.Ltmp2, $4  }
0x5a: {  	[tilespmem:v7+s3+$0x0] =	vst.idx.add.s32.msk $0xffff, v2  }
0x5b: {  	[tilespmem:v8+s3+$0x0] =	vst.idx.add.s32.msk $0xffff, v2  }
0x5c: {  	[tilespmem:v9+s3+$0x0] =	vst.idx.add.s32.msk $0xffff, v2  }
0x5d: {  	[tilespmem:v10+s3+$0x0] =	vst.idx.add.s32.msk $0xffff, v2  }
0x5e: {  	_ =	sdelay $0x3  }
0x5f: {  	[tilespmem:v3+s3+$0x0] =	vst.idx.add.s32.msk $0xffff, v2  }
0x60: {  	[bflag:$0x0] =	sbarrier.arrive $0xFFFF  }
0x61: {  	[spmem:s1] =	stream.indirect.scatter.add.s32 [tilespmem:s3], [sflag:$0x1], $0x80, s10, s9, $0xb8;
	[tilespmem:$0x15200] =	vst v63  }
0x62: {  	_ = 	snop  }
0x63: {  	[spmem:s1] =	stream.indirect.scatter.add.s32 [tilespmem:s12], [sflag:$0x1], $0x80, s11, s9, $0xb8;
	[tilespmem:$0x15200] =	vst v63  }
0x64: {  	_ = 	snop  }
0x65: {  	[spmem:s1] =	stream.indirect.scatter.add.s32 [tilespmem:s14], [sflag:$0x1], $0x80, s13, s9, $0xb8;
	[tilespmem:$0x15200] =	vst v63  }
0x66: {  	_ = 	snop  }
0x67: {  	[spmem:s1] =	stream.indirect.scatter.add.s32 [tilespmem:s16], [sflag:$0x1], $0x80, s15, s9, $0xb8;
	[tilespmem:$0x15200] =	vst v63  }
0x68: {  	_ =	swait.ge [sflag:s17], $0x4000  }
0x69: {  	[sflag:s17] =	ssyncset.done $0x0  }
0x6a: {  	[sflag:s17] =	ssyncadd.s32 $0xFFFFC000  }
0x6b: {  	_ =	swait.ge [sflag:s17], $0x4000  }
0x6c: {  	[sflag:s17] =	ssyncset.done $0x0  }
0x6d: {  	[sflag:s17] =	ssyncadd.s32 $0xFFFFC000  }
0x6e: {  	_ =	swait.ge [sflag:s17], $0x4000  }
0x6f: {  	[sflag:s17] =	ssyncset.done $0x0  }
0x70: {  	[sflag:s17] =	ssyncadd.s32 $0xFFFFC000  }
0x71: {  	_ =	swait.ge [sflag:s17], $0x4000  }
0x72: {  	s19 =	sadd.s32 $0x1, s19;
	[sflag:s17] =	ssyncset.done $0x0  }
0x73: {  	s20 =	sshll.u32 s2, $0x6;
	p1 =	sne.s32 s19, s6;
	[sflag:s17] =	ssyncadd.s32 $0xFFFFC000  }
.Ltmp3:
0x74: {  	s20 =	sor.u32 $0x1C02, s20;
	[bflag:$0x0] =	sbarrier.arrive $0xFFFF;
	(pc) =	sbr.rel @p1 .LBB2_1-.Ltmp3, $4  }
0x75: {  	[hbm:s5], [sflag:s20] =	dma.local [spmem:s18], $0x200  }
0x76: {  	_ =	swait.ge [sflag:s8], $0x200  }
0x77: {  	[sflag:s8] =	ssyncset.done $0x0  }
0x78: {  	[sflag:s8] =	ssyncadd.s32 $0xFFFFFE00  }
0x79: {  	_ =	sfence.sel $0x180000  }
0x7a: {  	[bflag:$0x0] =	sbarrier.arrive $0xFFFF  }
0x7b: {  	_ =	strace $0x90000047  }
0x7c: {  	s0 =	sadd.s32 @!p0 $0x100000, s0;
	[bflag:$0x2] =	sbarrier.arrive $0xFFFF  }
0x7d: {  	[sflag:s0] =	ssyncadd.tile.s32 @!p0 $0x1;
	_ =	shalt  }
.Lfunc_end2:
_tile_overlayer_lowered:
.L_overlay_start_2:
0x7e: {  	(tag) =	ssettag $0x2  }
0x7f: {  	s0 =	rddreg [dreg:$0x0];
	s2 =	stileid.u32  }
0x80: {  	s1 =	rddreg [dreg:$0x1];
	p0 =	sne.s32 s2, $0x0  }
0x81: {  	s3 =	rddreg [dreg:$0x2];
	[bflag:$0x3] =	sbarrier.arrive $0xFFFF;
	s2 =	simm.s32 @!p0 $0x1C02  }
0x82: {  	[timem:s3], [sflag:s2] =	dma.local @!p0 [hbm:s0], s1  }
0x83: {  	s0 =	simm.s32 @!p0 $0x2  }
0x84: {  	_ =	swait.ge @!p0 [sflag:s0], s1  }
0x85: {  	s1 =	ssub.s32 @!p0 $0x0, s1;
	[sflag:s0] =	ssyncset.done @!p0 $0x0  }
0x86: {  	[sflag:s0] =	ssyncadd.s32 @!p0 s1  }
0x87: {  	[bflag:$0x3] =	sbarrier.arrive $0xFFFF  }
0x88: {  	_ =	shalt  }

</sc_bundles>
